<compile_context>
chip_gen: v7x
topology: tpu7x:2x2x1
jax: 0.10.2.dev20260603
libtpu: 0.0.44.dev20260713+nightly
codegen_flags: <defaults>
</compile_context>

<pallas_src>
import jax
import jax.numpy as jnp
from jax import lax
from jax.experimental import pallas as pl
from jax.experimental.pallas import tpu as pltpu
from jax.experimental.pallas import tpu_sc as plsc

_N = 10000
_D = 128
_E = 320000
_OUT = 40

_NC = 2
_NS = 16
_NW = _NC * _NS
_CHUNK = 128
_EPAD = ((_E + _NW * _CHUNK - 1) // (_NW * _CHUNK)) * (_NW * _CHUNK)
_NCHUNK = _EPAD // (_NW * _CHUNK)
_EPT = _NCHUNK * _CHUNK
_NPAD = ((_N + _NS * 8 - 1) // (_NS * 8)) * (_NS * 8)
_RPT = _NPAD // _NS


def _sc_segsum_body(x_hbm, src_hbm, dst_hbm, zero_hbm, out_hbm,
                    sidx, didx, rows, acc, sem):
    c = lax.axis_index("c")
    s = lax.axis_index("s")
    wid = c * _NS + s
    pltpu.sync_copy(zero_hbm.at[pl.ds(s * _RPT, _RPT)],
                    acc.at[pl.ds(s * _RPT, _RPT)])
    plsc.subcore_barrier()
    base = wid * _EPT

    def body(i, carry):
        off = base + i * _CHUNK
        pltpu.sync_copy(src_hbm.at[pl.ds(off, _CHUNK)], sidx)
        pltpu.sync_copy(dst_hbm.at[pl.ds(off, _CHUNK)], didx)
        pltpu.async_copy(x_hbm.at[sidx], rows, sem).wait()
        pltpu.sync_copy(rows, acc.at[didx], add=True)
        return carry

    lax.fori_loop(0, _NCHUNK, body, 0)
    plsc.subcore_barrier()
    pltpu.sync_copy(acc.at[pl.ds(s * _RPT, _RPT)],
                    out_hbm.at[c].at[pl.ds(s * _RPT, _RPT)])


_SC_SEGSUM_CACHE = []


def _sc_segsum(x, src_p, dst_p, zero):
    if not _SC_SEGSUM_CACHE:
        _SC_SEGSUM_CACHE.append(pl.kernel(
            _sc_segsum_body,
            out_type=jax.ShapeDtypeStruct((_NC, _NPAD, _D), jnp.float32),
            mesh=plsc.VectorSubcoreMesh(core_axis_name="c",
                                        subcore_axis_name="s"),
            scratch_types=[
                pltpu.VMEM((_CHUNK,), jnp.int32),
                pltpu.VMEM((_CHUNK,), jnp.int32),
                pltpu.VMEM((_CHUNK, _D), jnp.float32),
                pltpu.VMEM_SHARED((_NPAD, _D), jnp.float32),
                pltpu.SemaphoreType.DMA,
            ],
        ))
    return _SC_SEGSUM_CACHE[0](x, src_p, dst_p, zero)


def _row_mask():
    return (lax.broadcasted_iota(jnp.int32, (_NPAD, 1), 0) < _N).astype(jnp.float32)


def _conv_norm(agg2, x, Wr, br, Wo, gnw, gnb, gna):
    agg = agg2[0] + agg2[1]
    t = (jnp.dot(agg, Wr[...], preferred_element_type=jnp.float32) + br[...]
         + jnp.dot(x[...], Wo[...], preferred_element_type=jnp.float32))
    mask = _row_mask()
    mean = jnp.sum(t * mask, axis=0, keepdims=True) * (1.0 / _N)
    xc = t - gna[...] * mean
    xcm = xc * mask
    var = jnp.sum(xcm * xcm, axis=0, keepdims=True) * (1.0 / _N)
    return gnw[...] * xc * lax.rsqrt(var + 1e-5) + gnb[...]


def _tc_mid_body(agg2_ref, x_ref, Wr, br, Wo, gnw, gnb, gna, o_ref):
    y = _conv_norm(agg2_ref[...], x_ref, Wr, br, Wo, gnw, gnb, gna)
    o_ref[...] = jnp.where(y >= 0, y, 0.1 * y)


def _tc_fin_body(agg2_ref, x_ref, feat_ref, Wr, br, Wo, gnw, gnb, gna,
                 Wlt, bl, o_ref):
    y = _conv_norm(agg2_ref[...], x_ref, Wr, br, Wo, gnw, gnb, gna)
    z = jnp.maximum(feat_ref[...] + y, 0.0)
    pooled = jnp.sum(z * _row_mask(), axis=0, keepdims=True) * (1.0 / _N)
    out = jnp.dot(pooled, Wlt[...], preferred_element_type=jnp.float32) + bl[...]
    o_ref[...] = jnp.maximum(out, 0.0)


_tc_mid = pl.pallas_call(
    _tc_mid_body,
    out_shape=jax.ShapeDtypeStruct((_NPAD, _D), jnp.float32),
)

_tc_fin = pl.pallas_call(
    _tc_fin_body,
    out_shape=jax.ShapeDtypeStruct((1, _D), jnp.float32),
)


def kernel(edge_index, feat,
           W_rel0, b_rel0, W_root0, gn_w0, gn_b0, gn_a0,
           W_rel1, b_rel1, W_root1, gn_w1, gn_b1, gn_a1,
           W_rel2, b_rel2, W_root2, gn_w2, gn_b2, gn_a2,
           W_rel3, b_rel3, W_root3, gn_w3, gn_b3, gn_a3,
           W_lin, b_lin):
    src = edge_index[0].astype(jnp.int32)
    dst = edge_index[1].astype(jnp.int32)
    pad = _EPAD - _E
    src_p = jnp.concatenate([src, jnp.zeros((pad,), jnp.int32)])
    dst_p = jnp.concatenate([dst, jnp.full((pad,), _N, jnp.int32)])
    feat_p = jnp.concatenate(
        [feat, jnp.zeros((_NPAD - _N, _D), jnp.float32)], axis=0)
    zero = jnp.zeros((_NPAD, _D), jnp.float32)

    convs = [(W_rel0, b_rel0, W_root0), (W_rel1, b_rel1, W_root1),
             (W_rel2, b_rel2, W_root2), (W_rel3, b_rel3, W_root3)]
    norms = [(gn_w0, gn_b0, gn_a0), (gn_w1, gn_b1, gn_a1),
             (gn_w2, gn_b2, gn_a2), (gn_w3, gn_b3, gn_a3)]

    x = feat_p
    for i in range(3):
        Wr, br, Wo = convs[i]
        w, b, a = norms[i]
        part = _sc_segsum(x, src_p, dst_p, zero)
        x = _tc_mid(part, x, Wr, br.reshape(1, _D), Wo,
                    w.reshape(1, _D), b.reshape(1, _D), a.reshape(1, _D))

    Wr, br, Wo = convs[3]
    w, b, a = norms[3]
    part = _sc_segsum(x, src_p, dst_p, zero)
    Wlt = jnp.zeros((_D, _D), jnp.float32).at[:, :_OUT].set(W_lin.T)
    blp = jnp.zeros((1, _D), jnp.float32).at[0, :_OUT].set(b_lin)
    out = _tc_fin(part, x, feat_p, Wr, br.reshape(1, _D), Wo,
                  w.reshape(1, _D), b.reshape(1, _D), a.reshape(1, _D),
                  Wlt, blp)
    return out[0, :_OUT]

# --- scband reference (transcript-rebuilt; emitter-appended) ---
"""Pipeline reference for scband-gcn1-63024350101691 (READ-ONLY COPY).

The authoritative reference and input builder live on the scoring server;
editing this copy changes nothing except your own understanding.
"""

import jax, jax.numpy as jnp
import numpy as np

N = 10000
E = 320000
D = 128
OUT = 40


def _graph_conv(x, src, dst, W_rel, b_rel, W_root):
    # PyG GraphConv: out = lin_rel(sum_{j in N(i)} x_j) + lin_root(x_i)
    agg = jax.ops.segment_sum(x[src], dst, num_segments=N)
    return agg @ W_rel + b_rel + x @ W_root


def _graph_norm(x, w, b, a, eps=1e-5):
    # PyG GraphNorm with a single graph (batch all zeros): stats over all nodes
    mean = jnp.mean(x, axis=0, keepdims=True)
    xc = x - a * mean
    var = jnp.mean(xc * xc, axis=0, keepdims=True)
    return w * xc / jnp.sqrt(var + eps) + b


def setup_inputs(seed: int = 0):
    key = jax.random.key(seed)
    ks = jax.random.split(key, 16)
    inp = {}
    inp["edge_index"] = jax.random.randint(ks[0], (2, E), 0, N)
    inp["feat"] = jax.random.normal(ks[1], (N, D), dtype=jnp.float32)
    for i in range(4):
        k1 = jax.random.fold_in(ks[2], i)
        k2 = jax.random.fold_in(ks[3], i)
        inp[f"W_rel{i}"] = jax.random.normal(k1, (D, D), dtype=jnp.float32) / np.sqrt(D)
        inp[f"b_rel{i}"] = jnp.zeros((D,), dtype=jnp.float32)
        inp[f"W_root{i}"] = jax.random.normal(k2, (D, D), dtype=jnp.float32) / np.sqrt(D)
        inp[f"gn_w{i}"] = jnp.ones((D,), dtype=jnp.float32)
        inp[f"gn_b{i}"] = jnp.zeros((D,), dtype=jnp.float32)
        inp[f"gn_a{i}"] = jnp.ones((D,), dtype=jnp.float32)
    inp["W_lin"] = jax.random.normal(ks[4], (OUT, D), dtype=jnp.float32) / np.sqrt(D)
    inp["b_lin"] = jnp.zeros((OUT,), dtype=jnp.float32)
    return inp


def reference(edge_index, feat,
              W_rel0, b_rel0, W_root0, gn_w0, gn_b0, gn_a0,
              W_rel1, b_rel1, W_root1, gn_w1, gn_b1, gn_a1,
              W_rel2, b_rel2, W_root2, gn_w2, gn_b2, gn_a2,
              W_rel3, b_rel3, W_root3, gn_w3, gn_b3, gn_a3,
              W_lin, b_lin):
    src = edge_index[0]
    dst = edge_index[1]
    convs = [(W_rel0, b_rel0, W_root0), (W_rel1, b_rel1, W_root1),
             (W_rel2, b_rel2, W_root2), (W_rel3, b_rel3, W_root3)]
    norms = [(gn_w0, gn_b0, gn_a0), (gn_w1, gn_b1, gn_a1),
             (gn_w2, gn_b2, gn_a2), (gn_w3, gn_b3, gn_a3)]
    feat1 = feat
    for i in range(3):
        Wr, br, Wo = convs[i]
        w, b, a = norms[i]
        feat1 = _graph_conv(feat1, src, dst, Wr, br, Wo)
        feat1 = _graph_norm(feat1, w, b, a)
        feat1 = jnp.where(feat1 >= 0, feat1, 0.1 * feat1)  # leaky_relu(0.1)
    Wr, br, Wo = convs[3]
    w, b, a = norms[3]
    feat1 = _graph_conv(feat1, src, dst, Wr, br, Wo)
    feat1 = feat + _graph_norm(feat1, w, b, a)
    feat1 = jax.nn.relu(feat1)
    pooled = jnp.mean(feat1, axis=0)  # global_mean_pool with single graph, then squeeze
    out = pooled @ W_lin.T + b_lin
    return jax.nn.relu(out)

if __name__ == "__main__":
    import jax
    _d = setup_inputs()
    print(jax.jit(kernel)(*tuple(_d.values())))

</pallas_src>

<mosaic_0001>
#map = affine_map<(d0, d1) -> (0, 0)>
#map1 = affine_map<(d0, d1) -> (0)>
#map2 = affine_map<(d0, d1) -> (0, 0, 0)>
module attributes {stable_mosaic.version = 14 : i64} {
  func.func @_sc_segsum_body(%arg0: i32, %arg1: i32, %arg2: memref<10112x128xf32, #tpu.memory_space<hbm>>, %arg3: memref<323584xi32, #tpu.memory_space<hbm>>, %arg4: memref<323584xi32, #tpu.memory_space<hbm>>, %arg5: memref<10112x128xf32, #tpu.memory_space<hbm>>, %arg6: memref<2x10112x128xf32, #tpu.memory_space<hbm>>, %arg7: memref<128xi32, #tpu.memory_space<vmem>>, %arg8: memref<128xi32, #tpu.memory_space<vmem>>, %arg9: memref<128x128xf32, #tpu.memory_space<vmem>>, %arg10: memref<10112x128xf32, #tpu.memory_space<vmem_shared>>, %arg11: memref<!tpu.dma_semaphore, #tpu.memory_space<semaphore_mem>>) attributes {dimension_semantics = [#tpu.dimension_semantics<core_parallel>, #tpu.dimension_semantics<subcore_parallel>], iteration_bounds = array<i64: 2, 16>, scalar_prefetch = 0 : i64, scratch_operands = 5 : i64, tpu.core_type = #tpu.core_type<sc_vector_subcore>, window_params = [{transform_indices = #map}, {transform_indices = #map1}, {transform_indices = #map1}, {transform_indices = #map}, {transform_indices = #map2}]} {
    %mul3A = arith.constant 16 : i32
    %mul3A_0 = arith.muli %arg0, %mul3A : i32
    %add3A = arith.addi %mul3A_0, %arg1 : i32
    %mul3A_1 = arith.constant 632 : i32
    %mul3A_2 = arith.muli %arg1, %mul3A_1 : i32
    %mul3A_3 = arith.constant 632 : i32
    %mul3A_4 = arith.muli %arg1, %mul3A_3 : i32
    "tpu.region"() ({
      %run_scoped3A = tpu.sem_alloc : memref<!tpu.dma_semaphore, #tpu.memory_space<semaphore_mem>>
      %dma_start3A = arith.constant 0 : i32
      %dma_start3A_17 = tpu.memref_slice %arg10[%mul3A_4, %dma_start3A] : memref<10112x128xf32, #tpu.memory_space<vmem_shared>> -> memref<632x128xf32, #tpu.memory_space<vmem_shared>>
      %dma_start3A_18 = arith.constant 0 : i32
      %dma_start3A_19 = tpu.memref_slice %arg5[%mul3A_2, %dma_start3A_18] : memref<10112x128xf32, #tpu.memory_space<hbm>> -> memref<632x128xf32, #tpu.memory_space<hbm>>
      tpu.enqueue_dma source(%dma_start3A_19 : memref<632x128xf32, #tpu.memory_space<hbm>>) target(%dma_start3A_17 : memref<632x128xf32, #tpu.memory_space<vmem_shared>>) target_semaphore(%run_scoped3A : memref<!tpu.dma_semaphore, #tpu.memory_space<semaphore_mem>>)
      %dma_wait3A = arith.constant 0 : i32
      %dma_wait3A_20 = tpu.memref_slice %arg10[%mul3A_4, %dma_wait3A] : memref<10112x128xf32, #tpu.memory_space<vmem_shared>> -> memref<632x128xf32, #tpu.memory_space<vmem_shared>>
      %dma_wait3A_21 = arith.constant 0 : i32
      %dma_wait3A_22 = tpu.memref_slice %arg5[%mul3A_2, %dma_wait3A_21] : memref<10112x128xf32, #tpu.memory_space<hbm>> -> memref<632x128xf32, #tpu.memory_space<hbm>>
      tpu.wait_dma2 semaphore(%run_scoped3A : memref<!tpu.dma_semaphore, #tpu.memory_space<semaphore_mem>>) src(%dma_wait3A_22 : memref<632x128xf32, #tpu.memory_space<hbm>>) dst(%dma_wait3A_20 : memref<632x128xf32, #tpu.memory_space<vmem_shared>>)
      tpu.yield
    }) : () -> ()
    %barrier3A = arith.constant 0 : index
    tpu.barrier barrier_id(%barrier3A)
    %mul3A_5 = arith.constant 10112 : i32
    %mul3A_6 = arith.muli %add3A, %mul3A_5 : i32
    %scan3A = arith.constant 0 : i32
    %scan3A_7 = arith.constant 0 : i32
    %scan3A_8 = arith.constant 79 : i32
    %scan3A_9 = arith.addi %scan3A_7, %scan3A_8 : i32
    %scan3A_10 = arith.constant 1 : i32
    scf.for %scan3A_17 = %scan3A_7 to %scan3A_9 step %scan3A_10  : i32 {
      %mul3A_18 = arith.constant 128 : i32
      %mul3A_19 = arith.muli %scan3A_17, %mul3A_18 : i32
      %add3A_20 = arith.addi %mul3A_6, %mul3A_19 : i32
      "tpu.region"() ({
        %run_scoped3A = tpu.sem_alloc : memref<!tpu.dma_semaphore, #tpu.memory_space<semaphore_mem>>
        %dma_start3A_25 = tpu.memref_slice %arg3[%add3A_20] : memref<323584xi32, #tpu.memory_space<hbm>> -> memref<128xi32, #tpu.memory_space<hbm>>
        %dma_start3A_26 = tpu.memref_slice %arg3[%add3A_20] : memref<323584xi32, #tpu.memory_space<hbm>> -> memref<128xi32, #tpu.memory_space<hbm>>
        tpu.enqueue_dma source(%dma_start3A_26 : memref<128xi32, #tpu.memory_space<hbm>>) target(%arg7 : memref<128xi32, #tpu.memory_space<vmem>>) target_semaphore(%run_scoped3A : memref<!tpu.dma_semaphore, #tpu.memory_space<semaphore_mem>>)
        %dma_wait3A_27 = tpu.memref_slice %arg3[%add3A_20] : memref<323584xi32, #tpu.memory_space<hbm>> -> memref<128xi32, #tpu.memory_space<hbm>>
        %dma_wait3A_28 = tpu.memref_slice %arg3[%add3A_20] : memref<323584xi32, #tpu.memory_space<hbm>> -> memref<128xi32, #tpu.memory_space<hbm>>
        tpu.wait_dma2 semaphore(%run_scoped3A : memref<!tpu.dma_semaphore, #tpu.memory_space<semaphore_mem>>) src(%dma_wait3A_28 : memref<128xi32, #tpu.memory_space<hbm>>) dst(%arg7 : memref<128xi32, #tpu.memory_space<vmem>>)
        tpu.yield
      }) : () -> ()
      "tpu.region"() ({
        %run_scoped3A = tpu.sem_alloc : memref<!tpu.dma_semaphore, #tpu.memory_space<semaphore_mem>>
        %dma_start3A_25 = tpu.memref_slice %arg4[%add3A_20] : memref<323584xi32, #tpu.memory_space<hbm>> -> memref<128xi32, #tpu.memory_space<hbm>>
        %dma_start3A_26 = tpu.memref_slice %arg4[%add3A_20] : memref<323584xi32, #tpu.memory_space<hbm>> -> memref<128xi32, #tpu.memory_space<hbm>>
        tpu.enqueue_dma source(%dma_start3A_26 : memref<128xi32, #tpu.memory_space<hbm>>) target(%arg8 : memref<128xi32, #tpu.memory_space<vmem>>) target_semaphore(%run_scoped3A : memref<!tpu.dma_semaphore, #tpu.memory_space<semaphore_mem>>)
        %dma_wait3A_27 = tpu.memref_slice %arg4[%add3A_20] : memref<323584xi32, #tpu.memory_space<hbm>> -> memref<128xi32, #tpu.memory_space<hbm>>
        %dma_wait3A_28 = tpu.memref_slice %arg4[%add3A_20] : memref<323584xi32, #tpu.memory_space<hbm>> -> memref<128xi32, #tpu.memory_space<hbm>>
        tpu.wait_dma2 semaphore(%run_scoped3A : memref<!tpu.dma_semaphore, #tpu.memory_space<semaphore_mem>>) src(%dma_wait3A_28 : memref<128xi32, #tpu.memory_space<hbm>>) dst(%arg8 : memref<128xi32, #tpu.memory_space<vmem>>)
        tpu.yield
      }) : () -> ()
      %dma_start3A = arith.constant 0 : i32
      %dma_start3A_21 = arith.constant 0 : i32
      %dma_start3A_22 = tpu.memref_slice %arg2[%dma_start3A, %dma_start3A_21] : memref<10112x128xf32, #tpu.memory_space<hbm>> -> memref<10112x128xf32, #tpu.memory_space<hbm>>
      tpu.enqueue_indirect_dma source(%dma_start3A_22 : memref<10112x128xf32, #tpu.memory_space<hbm>>) target(%arg9 : memref<128x128xf32, #tpu.memory_space<vmem>>) offsets(%arg7 : memref<128xi32, #tpu.memory_space<vmem>>) semaphore(%arg11 : memref<!tpu.dma_semaphore, #tpu.memory_space<semaphore_mem>>)
      %dma_wait3A = arith.constant 0 : i32
      %dma_wait3A_23 = arith.constant 0 : i32
      %dma_wait3A_24 = tpu.memref_slice %arg2[%dma_wait3A, %dma_wait3A_23] : memref<10112x128xf32, #tpu.memory_space<hbm>> -> memref<10112x128xf32, #tpu.memory_space<hbm>>
      tpu.wait_indirect_dma semaphore(%arg11 : memref<!tpu.dma_semaphore, #tpu.memory_space<semaphore_mem>>) src(%dma_wait3A_24 : memref<10112x128xf32, #tpu.memory_space<hbm>>) dst(%arg9 : memref<128x128xf32, #tpu.memory_space<vmem>>)
      "tpu.region"() ({
        %run_scoped3A = tpu.sem_alloc : memref<!tpu.dma_semaphore, #tpu.memory_space<semaphore_mem>>
        %dma_start3A_25 = arith.constant 0 : i32
        %dma_start3A_26 = arith.constant 0 : i32
        %dma_start3A_27 = tpu.memref_slice %arg10[%dma_start3A_25, %dma_start3A_26] : memref<10112x128xf32, #tpu.memory_space<vmem_shared>> -> memref<10112x128xf32, #tpu.memory_space<vmem_shared>>
        tpu.enqueue_indirect_dma source(%arg9 : memref<128x128xf32, #tpu.memory_space<vmem>>) target(%dma_start3A_27 : memref<10112x128xf32, #tpu.memory_space<vmem_shared>>) offsets(%arg8 : memref<128xi32, #tpu.memory_space<vmem>>) semaphore(%run_scoped3A : memref<!tpu.dma_semaphore, #tpu.memory_space<semaphore_mem>>) {add = true}
        %dma_wait3A_28 = arith.constant 0 : i32
        %dma_wait3A_29 = arith.constant 0 : i32
        %dma_wait3A_30 = tpu.memref_slice %arg10[%dma_wait3A_28, %dma_wait3A_29] : memref<10112x128xf32, #tpu.memory_space<vmem_shared>> -> memref<10112x128xf32, #tpu.memory_space<vmem_shared>>
        tpu.wait_indirect_dma semaphore(%run_scoped3A : memref<!tpu.dma_semaphore, #tpu.memory_space<semaphore_mem>>) src(%arg9 : memref<128x128xf32, #tpu.memory_space<vmem>>) dst(%dma_wait3A_30 : memref<10112x128xf32, #tpu.memory_space<vmem_shared>>)
        tpu.yield
      }) : () -> ()
    }
    %scan3A_11 = arith.constant 79 : i32
    %barrier3A_12 = arith.constant 0 : index
    tpu.barrier barrier_id(%barrier3A_12)
    %mul3A_13 = arith.constant 632 : i32
    %mul3A_14 = arith.muli %arg1, %mul3A_13 : i32
    %mul3A_15 = arith.constant 632 : i32
    %mul3A_16 = arith.muli %arg1, %mul3A_15 : i32
    "tpu.region"() ({
      %run_scoped3A = tpu.sem_alloc : memref<!tpu.dma_semaphore, #tpu.memory_space<semaphore_mem>>
      %dma_start3A = arith.constant 0 : i32
      %dma_start3A_17 = arith.constant 0 : i32
      %dma_start3A_18 = tpu.memref_slice %arg6[%arg0, %dma_start3A, %dma_start3A_17] : memref<2x10112x128xf32, #tpu.memory_space<hbm>> -> memref<1x10112x128xf32, #tpu.memory_space<hbm>>
      %dma_start3A_19 = tpu.memref_squeeze %dma_start3A_18 : memref<1x10112x128xf32, #tpu.memory_space<hbm>> -> memref<10112x128xf32, #tpu.memory_space<hbm>>
      %dma_start3A_20 = arith.constant 0 : i32
      %dma_start3A_21 = tpu.memref_slice %dma_start3A_19[%mul3A_16, %dma_start3A_20] : memref<10112x128xf32, #tpu.memory_space<hbm>> -> memref<632x128xf32, #tpu.memory_space<hbm>>
      %dma_start3A_22 = arith.constant 0 : i32
      %dma_start3A_23 = tpu.memref_slice %arg10[%mul3A_14, %dma_start3A_22] : memref<10112x128xf32, #tpu.memory_space<vmem_shared>> -> memref<632x128xf32, #tpu.memory_space<vmem_shared>>
      tpu.enqueue_dma source(%dma_start3A_23 : memref<632x128xf32, #tpu.memory_space<vmem_shared>>) target(%dma_start3A_21 : memref<632x128xf32, #tpu.memory_space<hbm>>) target_semaphore(%run_scoped3A : memref<!tpu.dma_semaphore, #tpu.memory_space<semaphore_mem>>)
      %dma_wait3A = arith.constant 0 : i32
      %dma_wait3A_24 = arith.constant 0 : i32
      %dma_wait3A_25 = tpu.memref_slice %arg6[%arg0, %dma_wait3A, %dma_wait3A_24] : memref<2x10112x128xf32, #tpu.memory_space<hbm>> -> memref<1x10112x128xf32, #tpu.memory_space<hbm>>
      %dma_wait3A_26 = tpu.memref_squeeze %dma_wait3A_25 : memref<1x10112x128xf32, #tpu.memory_space<hbm>> -> memref<10112x128xf32, #tpu.memory_space<hbm>>
      %dma_wait3A_27 = arith.constant 0 : i32
      %dma_wait3A_28 = tpu.memref_slice %dma_wait3A_26[%mul3A_16, %dma_wait3A_27] : memref<10112x128xf32, #tpu.memory_space<hbm>> -> memref<632x128xf32, #tpu.memory_space<hbm>>
      %dma_wait3A_29 = arith.constant 0 : i32
      %dma_wait3A_30 = tpu.memref_slice %arg10[%mul3A_14, %dma_wait3A_29] : memref<10112x128xf32, #tpu.memory_space<vmem_shared>> -> memref<632x128xf32, #tpu.memory_space<vmem_shared>>
      tpu.wait_dma2 semaphore(%run_scoped3A : memref<!tpu.dma_semaphore, #tpu.memory_space<semaphore_mem>>) src(%dma_wait3A_30 : memref<632x128xf32, #tpu.memory_space<vmem_shared>>) dst(%dma_wait3A_28 : memref<632x128xf32, #tpu.memory_space<hbm>>)
      tpu.yield
    }) : () -> ()
    return
  }
}

#map = affine_map<(d0, d1) -> (0, 0)>
#map1 = affine_map<(d0, d1) -> (0)>
#map2 = affine_map<(d0, d1) -> (0, 0, 0)>
module attributes {stable_mosaic.version = 14 : i64} {
  func.func @_sc_segsum_body(%arg0: i32, %arg1: i32, %arg2: memref<10112x128xf32, #tpu.memory_space<hbm>>, %arg3: memref<323584xi32, #tpu.memory_space<hbm>>, %arg4: memref<323584xi32, #tpu.memory_space<hbm>>, %arg5: memref<10112x128xf32, #tpu.memory_space<hbm>>, %arg6: memref<2x10112x128xf32, #tpu.memory_space<hbm>>, %arg7: memref<128xi32, #tpu.memory_space<vmem>>, %arg8: memref<128xi32, #tpu.memory_space<vmem>>, %arg9: memref<128x128xf32, #tpu.memory_space<vmem>>, %arg10: memref<10112x128xf32, #tpu.memory_space<vmem_shared>>, %arg11: memref<!tpu.dma_semaphore, #tpu.memory_space<semaphore_mem>>) attributes {dimension_semantics = [#tpu.dimension_semantics<core_parallel>, #tpu.dimension_semantics<subcore_parallel>], iteration_bounds = array<i64: 2, 16>, scalar_prefetch = 0 : i64, scratch_operands = 5 : i64, tpu.core_type = #tpu.core_type<sc_vector_subcore>, window_params = [{transform_indices = #map}, {transform_indices = #map1}, {transform_indices = #map1}, {transform_indices = #map}, {transform_indices = #map2}]} {
    %mul3A = arith.constant 16 : i32
    %mul3A_0 = arith.muli %arg0, %mul3A : i32
    %add3A = arith.addi %mul3A_0, %arg1 : i32
    %mul3A_1 = arith.constant 632 : i32
    %mul3A_2 = arith.muli %arg1, %mul3A_1 : i32
    %mul3A_3 = arith.constant 632 : i32
    %mul3A_4 = arith.muli %arg1, %mul3A_3 : i32
    "tpu.region"() ({
      %run_scoped3A = tpu.sem_alloc : memref<!tpu.dma_semaphore, #tpu.memory_space<semaphore_mem>>
      %dma_start3A = arith.constant 0 : i32
      %dma_start3A_17 = tpu.memref_slice %arg10[%mul3A_4, %dma_start3A] : memref<10112x128xf32, #tpu.memory_space<vmem_shared>> -> memref<632x128xf32, #tpu.memory_space<vmem_shared>>
      %dma_start3A_18 = arith.constant 0 : i32
      %dma_start3A_19 = tpu.memref_slice %arg5[%mul3A_2, %dma_start3A_18] : memref<10112x128xf32, #tpu.memory_space<hbm>> -> memref<632x128xf32, #tpu.memory_space<hbm>>
      tpu.enqueue_dma source(%dma_start3A_19 : memref<632x128xf32, #tpu.memory_space<hbm>>) target(%dma_start3A_17 : memref<632x128xf32, #tpu.memory_space<vmem_shared>>) target_semaphore(%run_scoped3A : memref<!tpu.dma_semaphore, #tpu.memory_space<semaphore_mem>>)
      %dma_wait3A = arith.constant 0 : i32
      %dma_wait3A_20 = tpu.memref_slice %arg10[%mul3A_4, %dma_wait3A] : memref<10112x128xf32, #tpu.memory_space<vmem_shared>> -> memref<632x128xf32, #tpu.memory_space<vmem_shared>>
      %dma_wait3A_21 = arith.constant 0 : i32
      %dma_wait3A_22 = tpu.memref_slice %arg5[%mul3A_2, %dma_wait3A_21] : memref<10112x128xf32, #tpu.memory_space<hbm>> -> memref<632x128xf32, #tpu.memory_space<hbm>>
      tpu.wait_dma2 semaphore(%run_scoped3A : memref<!tpu.dma_semaphore, #tpu.memory_space<semaphore_mem>>) src(%dma_wait3A_22 : memref<632x128xf32, #tpu.memory_space<hbm>>) dst(%dma_wait3A_20 : memref<632x128xf32, #tpu.memory_space<vmem_shared>>)
      tpu.yield
    }) : () -> ()
    %barrier3A = arith.constant 0 : index
    tpu.barrier barrier_id(%barrier3A)
    %mul3A_5 = arith.constant 10112 : i32
    %mul3A_6 = arith.muli %add3A, %mul3A_5 : i32
    %scan3A = arith.constant 0 : i32
    %scan3A_7 = arith.constant 0 : i32
    %scan3A_8 = arith.constant 79 : i32
    %scan3A_9 = arith.addi %scan3A_7, %scan3A_8 : i32
    %scan3A_10 = arith.constant 1 : i32
    scf.for %scan3A_17 = %scan3A_7 to %scan3A_9 step %scan3A_10  : i32 {
      %mul3A_18 = arith.constant 128 : i32
      %mul3A_19 = arith.muli %scan3A_17, %mul3A_18 : i32
      %add3A_20 = arith.addi %mul3A_6, %mul3A_19 : i32
      "tpu.region"() ({
        %run_scoped3A = tpu.sem_alloc : memref<!tpu.dma_semaphore, #tpu.memory_space<semaphore_mem>>
        %dma_start3A_25 = tpu.memref_slice %arg3[%add3A_20] : memref<323584xi32, #tpu.memory_space<hbm>> -> memref<128xi32, #tpu.memory_space<hbm>>
        %dma_start3A_26 = tpu.memref_slice %arg3[%add3A_20] : memref<323584xi32, #tpu.memory_space<hbm>> -> memref<128xi32, #tpu.memory_space<hbm>>
        tpu.enqueue_dma source(%dma_start3A_26 : memref<128xi32, #tpu.memory_space<hbm>>) target(%arg7 : memref<128xi32, #tpu.memory_space<vmem>>) target_semaphore(%run_scoped3A : memref<!tpu.dma_semaphore, #tpu.memory_space<semaphore_mem>>)
        %dma_wait3A_27 = tpu.memref_slice %arg3[%add3A_20] : memref<323584xi32, #tpu.memory_space<hbm>> -> memref<128xi32, #tpu.memory_space<hbm>>
        %dma_wait3A_28 = tpu.memref_slice %arg3[%add3A_20] : memref<323584xi32, #tpu.memory_space<hbm>> -> memref<128xi32, #tpu.memory_space<hbm>>
        tpu.wait_dma2 semaphore(%run_scoped3A : memref<!tpu.dma_semaphore, #tpu.memory_space<semaphore_mem>>) src(%dma_wait3A_28 : memref<128xi32, #tpu.memory_space<hbm>>) dst(%arg7 : memref<128xi32, #tpu.memory_space<vmem>>)
        tpu.yield
      }) : () -> ()
      "tpu.region"() ({
        %run_scoped3A = tpu.sem_alloc : memref<!tpu.dma_semaphore, #tpu.memory_space<semaphore_mem>>
        %dma_start3A_25 = tpu.memref_slice %arg4[%add3A_20] : memref<323584xi32, #tpu.memory_space<hbm>> -> memref<128xi32, #tpu.memory_space<hbm>>
        %dma_start3A_26 = tpu.memref_slice %arg4[%add3A_20] : memref<323584xi32, #tpu.memory_space<hbm>> -> memref<128xi32, #tpu.memory_space<hbm>>
        tpu.enqueue_dma source(%dma_start3A_26 : memref<128xi32, #tpu.memory_space<hbm>>) target(%arg8 : memref<128xi32, #tpu.memory_space<vmem>>) target_semaphore(%run_scoped3A : memref<!tpu.dma_semaphore, #tpu.memory_space<semaphore_mem>>)
        %dma_wait3A_27 = tpu.memref_slice %arg4[%add3A_20] : memref<323584xi32, #tpu.memory_space<hbm>> -> memref<128xi32, #tpu.memory_space<hbm>>
        %dma_wait3A_28 = tpu.memref_slice %arg4[%add3A_20] : memref<323584xi32, #tpu.memory_space<hbm>> -> memref<128xi32, #tpu.memory_space<hbm>>
        tpu.wait_dma2 semaphore(%run_scoped3A : memref<!tpu.dma_semaphore, #tpu.memory_space<semaphore_mem>>) src(%dma_wait3A_28 : memref<128xi32, #tpu.memory_space<hbm>>) dst(%arg8 : memref<128xi32, #tpu.memory_space<vmem>>)
        tpu.yield
      }) : () -> ()
      %dma_start3A = arith.constant 0 : i32
      %dma_start3A_21 = arith.constant 0 : i32
      %dma_start3A_22 = tpu.memref_slice %arg2[%dma_start3A, %dma_start3A_21] : memref<10112x128xf32, #tpu.memory_space<hbm>> -> memref<10112x128xf32, #tpu.memory_space<hbm>>
      tpu.enqueue_indirect_dma source(%dma_start3A_22 : memref<10112x128xf32, #tpu.memory_space<hbm>>) target(%arg9 : memref<128x128xf32, #tpu.memory_space<vmem>>) offsets(%arg7 : memref<128xi32, #tpu.memory_space<vmem>>) semaphore(%arg11 : memref<!tpu.dma_semaphore, #tpu.memory_space<semaphore_mem>>)
      %dma_wait3A = arith.constant 0 : i32
      %dma_wait3A_23 = arith.constant 0 : i32
      %dma_wait3A_24 = tpu.memref_slice %arg2[%dma_wait3A, %dma_wait3A_23] : memref<10112x128xf32, #tpu.memory_space<hbm>> -> memref<10112x128xf32, #tpu.memory_space<hbm>>
      tpu.wait_indirect_dma semaphore(%arg11 : memref<!tpu.dma_semaphore, #tpu.memory_space<semaphore_mem>>) src(%dma_wait3A_24 : memref<10112x128xf32, #tpu.memory_space<hbm>>) dst(%arg9 : memref<128x128xf32, #tpu.memory_space<vmem>>)
      "tpu.region"() ({
        %run_scoped3A = tpu.sem_alloc : memref<!tpu.dma_semaphore, #tpu.memory_space<semaphore_mem>>
        %dma_start3A_25 = arith.constant 0 : i32
        %dma_start3A_26 = arith.constant 0 : i32
        %dma_start3A_27 = tpu.memref_slice %arg10[%dma_start3A_25, %dma_start3A_26] : memref<10112x128xf32, #tpu.memory_space<vmem_shared>> -> memref<10112x128xf32, #tpu.memory_space<vmem_shared>>
        tpu.enqueue_indirect_dma source(%arg9 : memref<128x128xf32, #tpu.memory_space<vmem>>) target(%dma_start3A_27 : memref<10112x128xf32, #tpu.memory_space<vmem_shared>>) offsets(%arg8 : memref<128xi32, #tpu.memory_space<vmem>>) semaphore(%run_scoped3A : memref<!tpu.dma_semaphore, #tpu.memory_space<semaphore_mem>>) {add = true}
        %dma_wait3A_28 = arith.constant 0 : i32
        %dma_wait3A_29 = arith.constant 0 : i32
        %dma_wait3A_30 = tpu.memref_slice %arg10[%dma_wait3A_28, %dma_wait3A_29] : memref<10112x128xf32, #tpu.memory_space<vmem_shared>> -> memref<10112x128xf32, #tpu.memory_space<vmem_shared>>
        tpu.wait_indirect_dma semaphore(%run_scoped3A : memref<!tpu.dma_semaphore, #tpu.memory_space<semaphore_mem>>) src(%arg9 : memref<128x128xf32, #tpu.memory_space<vmem>>) dst(%dma_wait3A_30 : memref<10112x128xf32, #tpu.memory_space<vmem_shared>>)
        tpu.yield
      }) : () -> ()
    }
    %scan3A_11 = arith.constant 79 : i32
    %barrier3A_12 = arith.constant 0 : index
    tpu.barrier barrier_id(%barrier3A_12)
    %mul3A_13 = arith.constant 632 : i32
    %mul3A_14 = arith.muli %arg1, %mul3A_13 : i32
    %mul3A_15 = arith.constant 632 : i32
    %mul3A_16 = arith.muli %arg1, %mul3A_15 : i32
    "tpu.region"() ({
      %run_scoped3A = tpu.sem_alloc : memref<!tpu.dma_semaphore, #tpu.memory_space<semaphore_mem>>
      %dma_start3A = arith.constant 0 : i32
      %dma_start3A_17 = arith.constant 0 : i32
      %dma_start3A_18 = tpu.memref_slice %arg6[%arg0, %dma_start3A, %dma_start3A_17] : memref<2x10112x128xf32, #tpu.memory_space<hbm>> -> memref<1x10112x128xf32, #tpu.memory_space<hbm>>
      %dma_start3A_19 = tpu.memref_squeeze %dma_start3A_18 : memref<1x10112x128xf32, #tpu.memory_space<hbm>> -> memref<10112x128xf32, #tpu.memory_space<hbm>>
      %dma_start3A_20 = arith.constant 0 : i32
      %dma_start3A_21 = tpu.memref_slice %dma_start3A_19[%mul3A_16, %dma_start3A_20] : memref<10112x128xf32, #tpu.memory_space<hbm>> -> memref<632x128xf32, #tpu.memory_space<hbm>>
      %dma_start3A_22 = arith.constant 0 : i32
      %dma_start3A_23 = tpu.memref_slice %arg10[%mul3A_14, %dma_start3A_22] : memref<10112x128xf32, #tpu.memory_space<vmem_shared>> -> memref<632x128xf32, #tpu.memory_space<vmem_shared>>
      tpu.enqueue_dma source(%dma_start3A_23 : memref<632x128xf32, #tpu.memory_space<vmem_shared>>) target(%dma_start3A_21 : memref<632x128xf32, #tpu.memory_space<hbm>>) target_semaphore(%run_scoped3A : memref<!tpu.dma_semaphore, #tpu.memory_space<semaphore_mem>>)
      %dma_wait3A = arith.constant 0 : i32
      %dma_wait3A_24 = arith.constant 0 : i32
      %dma_wait3A_25 = tpu.memref_slice %arg6[%arg0, %dma_wait3A, %dma_wait3A_24] : memref<2x10112x128xf32, #tpu.memory_space<hbm>> -> memref<1x10112x128xf32, #tpu.memory_space<hbm>>
      %dma_wait3A_26 = tpu.memref_squeeze %dma_wait3A_25 : memref<1x10112x128xf32, #tpu.memory_space<hbm>> -> memref<10112x128xf32, #tpu.memory_space<hbm>>
      %dma_wait3A_27 = arith.constant 0 : i32
      %dma_wait3A_28 = tpu.memref_slice %dma_wait3A_26[%mul3A_16, %dma_wait3A_27] : memref<10112x128xf32, #tpu.memory_space<hbm>> -> memref<632x128xf32, #tpu.memory_space<hbm>>
      %dma_wait3A_29 = arith.constant 0 : i32
      %dma_wait3A_30 = tpu.memref_slice %arg10[%mul3A_14, %dma_wait3A_29] : memref<10112x128xf32, #tpu.memory_space<vmem_shared>> -> memref<632x128xf32, #tpu.memory_space<vmem_shared>>
      tpu.wait_dma2 semaphore(%run_scoped3A : memref<!tpu.dma_semaphore, #tpu.memory_space<semaphore_mem>>) src(%dma_wait3A_30 : memref<632x128xf32, #tpu.memory_space<vmem_shared>>) dst(%dma_wait3A_28 : memref<632x128xf32, #tpu.memory_space<hbm>>)
      tpu.yield
    }) : () -> ()
    return
  }
}

#map = affine_map<(d0, d1) -> (0, 0)>
#map1 = affine_map<(d0, d1) -> (0)>
#map2 = affine_map<(d0, d1) -> (0, 0, 0)>
module attributes {stable_mosaic.version = 14 : i64} {
  func.func @_sc_segsum_body(%arg0: i32, %arg1: i32, %arg2: memref<10112x128xf32, #tpu.memory_space<hbm>>, %arg3: memref<323584xi32, #tpu.memory_space<hbm>>, %arg4: memref<323584xi32, #tpu.memory_space<hbm>>, %arg5: memref<10112x128xf32, #tpu.memory_space<hbm>>, %arg6: memref<2x10112x128xf32, #tpu.memory_space<hbm>>, %arg7: memref<128xi32, #tpu.memory_space<vmem>>, %arg8: memref<128xi32, #tpu.memory_space<vmem>>, %arg9: memref<128x128xf32, #tpu.memory_space<vmem>>, %arg10: memref<10112x128xf32, #tpu.memory_space<vmem_shared>>, %arg11: memref<!tpu.dma_semaphore, #tpu.memory_space<semaphore_mem>>) attributes {dimension_semantics = [#tpu.dimension_semantics<core_parallel>, #tpu.dimension_semantics<subcore_parallel>], iteration_bounds = array<i64: 2, 16>, scalar_prefetch = 0 : i64, scratch_operands = 5 : i64, tpu.core_type = #tpu.core_type<sc_vector_subcore>, window_params = [{transform_indices = #map}, {transform_indices = #map1}, {transform_indices = #map1}, {transform_indices = #map}, {transform_indices = #map2}]} {
    %mul3A = arith.constant 16 : i32
    %mul3A_0 = arith.muli %arg0, %mul3A : i32
    %add3A = arith.addi %mul3A_0, %arg1 : i32
    %mul3A_1 = arith.constant 632 : i32
    %mul3A_2 = arith.muli %arg1, %mul3A_1 : i32
    %mul3A_3 = arith.constant 632 : i32
    %mul3A_4 = arith.muli %arg1, %mul3A_3 : i32
    "tpu.region"() ({
      %run_scoped3A = tpu.sem_alloc : memref<!tpu.dma_semaphore, #tpu.memory_space<semaphore_mem>>
      %dma_start3A = arith.constant 0 : i32
      %dma_start3A_17 = tpu.memref_slice %arg10[%mul3A_4, %dma_start3A] : memref<10112x128xf32, #tpu.memory_space<vmem_shared>> -> memref<632x128xf32, #tpu.memory_space<vmem_shared>>
      %dma_start3A_18 = arith.constant 0 : i32
      %dma_start3A_19 = tpu.memref_slice %arg5[%mul3A_2, %dma_start3A_18] : memref<10112x128xf32, #tpu.memory_space<hbm>> -> memref<632x128xf32, #tpu.memory_space<hbm>>
      tpu.enqueue_dma source(%dma_start3A_19 : memref<632x128xf32, #tpu.memory_space<hbm>>) target(%dma_start3A_17 : memref<632x128xf32, #tpu.memory_space<vmem_shared>>) target_semaphore(%run_scoped3A : memref<!tpu.dma_semaphore, #tpu.memory_space<semaphore_mem>>)
      %dma_wait3A = arith.constant 0 : i32
      %dma_wait3A_20 = tpu.memref_slice %arg10[%mul3A_4, %dma_wait3A] : memref<10112x128xf32, #tpu.memory_space<vmem_shared>> -> memref<632x128xf32, #tpu.memory_space<vmem_shared>>
      %dma_wait3A_21 = arith.constant 0 : i32
      %dma_wait3A_22 = tpu.memref_slice %arg5[%mul3A_2, %dma_wait3A_21] : memref<10112x128xf32, #tpu.memory_space<hbm>> -> memref<632x128xf32, #tpu.memory_space<hbm>>
      tpu.wait_dma2 semaphore(%run_scoped3A : memref<!tpu.dma_semaphore, #tpu.memory_space<semaphore_mem>>) src(%dma_wait3A_22 : memref<632x128xf32, #tpu.memory_space<hbm>>) dst(%dma_wait3A_20 : memref<632x128xf32, #tpu.memory_space<vmem_shared>>)
      tpu.yield
    }) : () -> ()
    %barrier3A = arith.constant 0 : index
    tpu.barrier barrier_id(%barrier3A)
    %mul3A_5 = arith.constant 10112 : i32
    %mul3A_6 = arith.muli %add3A, %mul3A_5 : i32
    %scan3A = arith.constant 0 : i32
    %scan3A_7 = arith.constant 0 : i32
    %scan3A_8 = arith.constant 79 : i32
    %scan3A_9 = arith.addi %scan3A_7, %scan3A_8 : i32
    %scan3A_10 = arith.constant 1 : i32
    scf.for %scan3A_17 = %scan3A_7 to %scan3A_9 step %scan3A_10  : i32 {
      %mul3A_18 = arith.constant 128 : i32
      %mul3A_19 = arith.muli %scan3A_17, %mul3A_18 : i32
      %add3A_20 = arith.addi %mul3A_6, %mul3A_19 : i32
      "tpu.region"() ({
        %run_scoped3A = tpu.sem_alloc : memref<!tpu.dma_semaphore, #tpu.memory_space<semaphore_mem>>
        %dma_start3A_25 = tpu.memref_slice %arg3[%add3A_20] : memref<323584xi32, #tpu.memory_space<hbm>> -> memref<128xi32, #tpu.memory_space<hbm>>
        %dma_start3A_26 = tpu.memref_slice %arg3[%add3A_20] : memref<323584xi32, #tpu.memory_space<hbm>> -> memref<128xi32, #tpu.memory_space<hbm>>
        tpu.enqueue_dma source(%dma_start3A_26 : memref<128xi32, #tpu.memory_space<hbm>>) target(%arg7 : memref<128xi32, #tpu.memory_space<vmem>>) target_semaphore(%run_scoped3A : memref<!tpu.dma_semaphore, #tpu.memory_space<semaphore_mem>>)
        %dma_wait3A_27 = tpu.memref_slice %arg3[%add3A_20] : memref<323584xi32, #tpu.memory_space<hbm>> -> memref<128xi32, #tpu.memory_space<hbm>>
        %dma_wait3A_28 = tpu.memref_slice %arg3[%add3A_20] : memref<323584xi32, #tpu.memory_space<hbm>> -> memref<128xi32, #tpu.memory_space<hbm>>
        tpu.wait_dma2 semaphore(%run_scoped3A : memref<!tpu.dma_semaphore, #tpu.memory_space<semaphore_mem>>) src(%dma_wait3A_28 : memref<128xi32, #tpu.memory_space<hbm>>) dst(%arg7 : memref<128xi32, #tpu.memory_space<vmem>>)
        tpu.yield
      }) : () -> ()
      "tpu.region"() ({
        %run_scoped3A = tpu.sem_alloc : memref<!tpu.dma_semaphore, #tpu.memory_space<semaphore_mem>>
        %dma_start3A_25 = tpu.memref_slice %arg4[%add3A_20] : memref<323584xi32, #tpu.memory_space<hbm>> -> memref<128xi32, #tpu.memory_space<hbm>>
        %dma_start3A_26 = tpu.memref_slice %arg4[%add3A_20] : memref<323584xi32, #tpu.memory_space<hbm>> -> memref<128xi32, #tpu.memory_space<hbm>>
        tpu.enqueue_dma source(%dma_start3A_26 : memref<128xi32, #tpu.memory_space<hbm>>) target(%arg8 : memref<128xi32, #tpu.memory_space<vmem>>) target_semaphore(%run_scoped3A : memref<!tpu.dma_semaphore, #tpu.memory_space<semaphore_mem>>)
        %dma_wait3A_27 = tpu.memref_slice %arg4[%add3A_20] : memref<323584xi32, #tpu.memory_space<hbm>> -> memref<128xi32, #tpu.memory_space<hbm>>
        %dma_wait3A_28 = tpu.memref_slice %arg4[%add3A_20] : memref<323584xi32, #tpu.memory_space<hbm>> -> memref<128xi32, #tpu.memory_space<hbm>>
        tpu.wait_dma2 semaphore(%run_scoped3A : memref<!tpu.dma_semaphore, #tpu.memory_space<semaphore_mem>>) src(%dma_wait3A_28 : memref<128xi32, #tpu.memory_space<hbm>>) dst(%arg8 : memref<128xi32, #tpu.memory_space<vmem>>)
        tpu.yield
      }) : () -> ()
      %dma_start3A = arith.constant 0 : i32
      %dma_start3A_21 = arith.constant 0 : i32
      %dma_start3A_22 = tpu.memref_slice %arg2[%dma_start3A, %dma_start3A_21] : memref<10112x128xf32, #tpu.memory_space<hbm>> -> memref<10112x128xf32, #tpu.memory_space<hbm>>
      tpu.enqueue_indirect_dma source(%dma_start3A_22 : memref<10112x128xf32, #tpu.memory_space<hbm>>) target(%arg9 : memref<128x128xf32, #tpu.memory_space<vmem>>) offsets(%arg7 : memref<128xi32, #tpu.memory_space<vmem>>) semaphore(%arg11 : memref<!tpu.dma_semaphore, #tpu.memory_space<semaphore_mem>>)
      %dma_wait3A = arith.constant 0 : i32
      %dma_wait3A_23 = arith.constant 0 : i32
      %dma_wait3A_24 = tpu.memref_slice %arg2[%dma_wait3A, %dma_wait3A_23] : memref<10112x128xf32, #tpu.memory_space<hbm>> -> memref<10112x128xf32, #tpu.memory_space<hbm>>
      tpu.wait_indirect_dma semaphore(%arg11 : memref<!tpu.dma_semaphore, #tpu.memory_space<semaphore_mem>>) src(%dma_wait3A_24 : memref<10112x128xf32, #tpu.memory_space<hbm>>) dst(%arg9 : memref<128x128xf32, #tpu.memory_space<vmem>>)
      "tpu.region"() ({
        %run_scoped3A = tpu.sem_alloc : memref<!tpu.dma_semaphore, #tpu.memory_space<semaphore_mem>>
        %dma_start3A_25 = arith.constant 0 : i32
        %dma_start3A_26 = arith.constant 0 : i32
        %dma_start3A_27 = tpu.memref_slice %arg10[%dma_start3A_25, %dma_start3A_26] : memref<10112x128xf32, #tpu.memory_space<vmem_shared>> -> memref<10112x128xf32, #tpu.memory_space<vmem_shared>>
        tpu.enqueue_indirect_dma source(%arg9 : memref<128x128xf32, #tpu.memory_space<vmem>>) target(%dma_start3A_27 : memref<10112x128xf32, #tpu.memory_space<vmem_shared>>) offsets(%arg8 : memref<128xi32, #tpu.memory_space<vmem>>) semaphore(%run_scoped3A : memref<!tpu.dma_semaphore, #tpu.memory_space<semaphore_mem>>) {add = true}
        %dma_wait3A_28 = arith.constant 0 : i32
        %dma_wait3A_29 = arith.constant 0 : i32
        %dma_wait3A_30 = tpu.memref_slice %arg10[%dma_wait3A_28, %dma_wait3A_29] : memref<10112x128xf32, #tpu.memory_space<vmem_shared>> -> memref<10112x128xf32, #tpu.memory_space<vmem_shared>>
        tpu.wait_indirect_dma semaphore(%run_scoped3A : memref<!tpu.dma_semaphore, #tpu.memory_space<semaphore_mem>>) src(%arg9 : memref<128x128xf32, #tpu.memory_space<vmem>>) dst(%dma_wait3A_30 : memref<10112x128xf32, #tpu.memory_space<vmem_shared>>)
        tpu.yield
      }) : () -> ()
    }
    %scan3A_11 = arith.constant 79 : i32
    %barrier3A_12 = arith.constant 0 : index
    tpu.barrier barrier_id(%barrier3A_12)
    %mul3A_13 = arith.constant 632 : i32
    %mul3A_14 = arith.muli %arg1, %mul3A_13 : i32
    %mul3A_15 = arith.constant 632 : i32
    %mul3A_16 = arith.muli %arg1, %mul3A_15 : i32
    "tpu.region"() ({
      %run_scoped3A = tpu.sem_alloc : memref<!tpu.dma_semaphore, #tpu.memory_space<semaphore_mem>>
      %dma_start3A = arith.constant 0 : i32
      %dma_start3A_17 = arith.constant 0 : i32
      %dma_start3A_18 = tpu.memref_slice %arg6[%arg0, %dma_start3A, %dma_start3A_17] : memref<2x10112x128xf32, #tpu.memory_space<hbm>> -> memref<1x10112x128xf32, #tpu.memory_space<hbm>>
      %dma_start3A_19 = tpu.memref_squeeze %dma_start3A_18 : memref<1x10112x128xf32, #tpu.memory_space<hbm>> -> memref<10112x128xf32, #tpu.memory_space<hbm>>
      %dma_start3A_20 = arith.constant 0 : i32
      %dma_start3A_21 = tpu.memref_slice %dma_start3A_19[%mul3A_16, %dma_start3A_20] : memref<10112x128xf32, #tpu.memory_space<hbm>> -> memref<632x128xf32, #tpu.memory_space<hbm>>
      %dma_start3A_22 = arith.constant 0 : i32
      %dma_start3A_23 = tpu.memref_slice %arg10[%mul3A_14, %dma_start3A_22] : memref<10112x128xf32, #tpu.memory_space<vmem_shared>> -> memref<632x128xf32, #tpu.memory_space<vmem_shared>>
      tpu.enqueue_dma source(%dma_start3A_23 : memref<632x128xf32, #tpu.memory_space<vmem_shared>>) target(%dma_start3A_21 : memref<632x128xf32, #tpu.memory_space<hbm>>) target_semaphore(%run_scoped3A : memref<!tpu.dma_semaphore, #tpu.memory_space<semaphore_mem>>)
      %dma_wait3A = arith.constant 0 : i32
      %dma_wait3A_24 = arith.constant 0 : i32
      %dma_wait3A_25 = tpu.memref_slice %arg6[%arg0, %dma_wait3A, %dma_wait3A_24] : memref<2x10112x128xf32, #tpu.memory_space<hbm>> -> memref<1x10112x128xf32, #tpu.memory_space<hbm>>
      %dma_wait3A_26 = tpu.memref_squeeze %dma_wait3A_25 : memref<1x10112x128xf32, #tpu.memory_space<hbm>> -> memref<10112x128xf32, #tpu.memory_space<hbm>>
      %dma_wait3A_27 = arith.constant 0 : i32
      %dma_wait3A_28 = tpu.memref_slice %dma_wait3A_26[%mul3A_16, %dma_wait3A_27] : memref<10112x128xf32, #tpu.memory_space<hbm>> -> memref<632x128xf32, #tpu.memory_space<hbm>>
      %dma_wait3A_29 = arith.constant 0 : i32
      %dma_wait3A_30 = tpu.memref_slice %arg10[%mul3A_14, %dma_wait3A_29] : memref<10112x128xf32, #tpu.memory_space<vmem_shared>> -> memref<632x128xf32, #tpu.memory_space<vmem_shared>>
      tpu.wait_dma2 semaphore(%run_scoped3A : memref<!tpu.dma_semaphore, #tpu.memory_space<semaphore_mem>>) src(%dma_wait3A_30 : memref<632x128xf32, #tpu.memory_space<vmem_shared>>) dst(%dma_wait3A_28 : memref<632x128xf32, #tpu.memory_space<hbm>>)
      tpu.yield
    }) : () -> ()
    return
  }
}

#map = affine_map<(d0, d1) -> (0, 0)>
#map1 = affine_map<(d0, d1) -> (0)>
#map2 = affine_map<(d0, d1) -> (0, 0, 0)>
module attributes {stable_mosaic.version = 14 : i64} {
  func.func @_sc_segsum_body(%arg0: i32, %arg1: i32, %arg2: memref<10112x128xf32, #tpu.memory_space<hbm>>, %arg3: memref<323584xi32, #tpu.memory_space<hbm>>, %arg4: memref<323584xi32, #tpu.memory_space<hbm>>, %arg5: memref<10112x128xf32, #tpu.memory_space<hbm>>, %arg6: memref<2x10112x128xf32, #tpu.memory_space<hbm>>, %arg7: memref<128xi32, #tpu.memory_space<vmem>>, %arg8: memref<128xi32, #tpu.memory_space<vmem>>, %arg9: memref<128x128xf32, #tpu.memory_space<vmem>>, %arg10: memref<10112x128xf32, #tpu.memory_space<vmem_shared>>, %arg11: memref<!tpu.dma_semaphore, #tpu.memory_space<semaphore_mem>>) attributes {dimension_semantics = [#tpu.dimension_semantics<core_parallel>, #tpu.dimension_semantics<subcore_parallel>], iteration_bounds = array<i64: 2, 16>, scalar_prefetch = 0 : i64, scratch_operands = 5 : i64, tpu.core_type = #tpu.core_type<sc_vector_subcore>, window_params = [{transform_indices = #map}, {transform_indices = #map1}, {transform_indices = #map1}, {transform_indices = #map}, {transform_indices = #map2}]} {
    %mul3A = arith.constant 16 : i32
    %mul3A_0 = arith.muli %arg0, %mul3A : i32
    %add3A = arith.addi %mul3A_0, %arg1 : i32
    %mul3A_1 = arith.constant 632 : i32
    %mul3A_2 = arith.muli %arg1, %mul3A_1 : i32
    %mul3A_3 = arith.constant 632 : i32
    %mul3A_4 = arith.muli %arg1, %mul3A_3 : i32
    "tpu.region"() ({
      %run_scoped3A = tpu.sem_alloc : memref<!tpu.dma_semaphore, #tpu.memory_space<semaphore_mem>>
      %dma_start3A = arith.constant 0 : i32
      %dma_start3A_17 = tpu.memref_slice %arg10[%mul3A_4, %dma_start3A] : memref<10112x128xf32, #tpu.memory_space<vmem_shared>> -> memref<632x128xf32, #tpu.memory_space<vmem_shared>>
      %dma_start3A_18 = arith.constant 0 : i32
      %dma_start3A_19 = tpu.memref_slice %arg5[%mul3A_2, %dma_start3A_18] : memref<10112x128xf32, #tpu.memory_space<hbm>> -> memref<632x128xf32, #tpu.memory_space<hbm>>
      tpu.enqueue_dma source(%dma_start3A_19 : memref<632x128xf32, #tpu.memory_space<hbm>>) target(%dma_start3A_17 : memref<632x128xf32, #tpu.memory_space<vmem_shared>>) target_semaphore(%run_scoped3A : memref<!tpu.dma_semaphore, #tpu.memory_space<semaphore_mem>>)
      %dma_wait3A = arith.constant 0 : i32
      %dma_wait3A_20 = tpu.memref_slice %arg10[%mul3A_4, %dma_wait3A] : memref<10112x128xf32, #tpu.memory_space<vmem_shared>> -> memref<632x128xf32, #tpu.memory_space<vmem_shared>>
      %dma_wait3A_21 = arith.constant 0 : i32
      %dma_wait3A_22 = tpu.memref_slice %arg5[%mul3A_2, %dma_wait3A_21] : memref<10112x128xf32, #tpu.memory_space<hbm>> -> memref<632x128xf32, #tpu.memory_space<hbm>>
      tpu.wait_dma2 semaphore(%run_scoped3A : memref<!tpu.dma_semaphore, #tpu.memory_space<semaphore_mem>>) src(%dma_wait3A_22 : memref<632x128xf32, #tpu.memory_space<hbm>>) dst(%dma_wait3A_20 : memref<632x128xf32, #tpu.memory_space<vmem_shared>>)
      tpu.yield
    }) : () -> ()
    %barrier3A = arith.constant 0 : index
    tpu.barrier barrier_id(%barrier3A)
    %mul3A_5 = arith.constant 10112 : i32
    %mul3A_6 = arith.muli %add3A, %mul3A_5 : i32
    %scan3A = arith.constant 0 : i32
    %scan3A_7 = arith.constant 0 : i32
    %scan3A_8 = arith.constant 79 : i32
    %scan3A_9 = arith.addi %scan3A_7, %scan3A_8 : i32
    %scan3A_10 = arith.constant 1 : i32
    scf.for %scan3A_17 = %scan3A_7 to %scan3A_9 step %scan3A_10  : i32 {
      %mul3A_18 = arith.constant 128 : i32
      %mul3A_19 = arith.muli %scan3A_17, %mul3A_18 : i32
      %add3A_20 = arith.addi %mul3A_6, %mul3A_19 : i32
      "tpu.region"() ({
        %run_scoped3A = tpu.sem_alloc : memref<!tpu.dma_semaphore, #tpu.memory_space<semaphore_mem>>
        %dma_start3A_25 = tpu.memref_slice %arg3[%add3A_20] : memref<323584xi32, #tpu.memory_space<hbm>> -> memref<128xi32, #tpu.memory_space<hbm>>
        %dma_start3A_26 = tpu.memref_slice %arg3[%add3A_20] : memref<323584xi32, #tpu.memory_space<hbm>> -> memref<128xi32, #tpu.memory_space<hbm>>
        tpu.enqueue_dma source(%dma_start3A_26 : memref<128xi32, #tpu.memory_space<hbm>>) target(%arg7 : memref<128xi32, #tpu.memory_space<vmem>>) target_semaphore(%run_scoped3A : memref<!tpu.dma_semaphore, #tpu.memory_space<semaphore_mem>>)
        %dma_wait3A_27 = tpu.memref_slice %arg3[%add3A_20] : memref<323584xi32, #tpu.memory_space<hbm>> -> memref<128xi32, #tpu.memory_space<hbm>>
        %dma_wait3A_28 = tpu.memref_slice %arg3[%add3A_20] : memref<323584xi32, #tpu.memory_space<hbm>> -> memref<128xi32, #tpu.memory_space<hbm>>
        tpu.wait_dma2 semaphore(%run_scoped3A : memref<!tpu.dma_semaphore, #tpu.memory_space<semaphore_mem>>) src(%dma_wait3A_28 : memref<128xi32, #tpu.memory_space<hbm>>) dst(%arg7 : memref<128xi32, #tpu.memory_space<vmem>>)
        tpu.yield
      }) : () -> ()
      "tpu.region"() ({
        %run_scoped3A = tpu.sem_alloc : memref<!tpu.dma_semaphore, #tpu.memory_space<semaphore_mem>>
        %dma_start3A_25 = tpu.memref_slice %arg4[%add3A_20] : memref<323584xi32, #tpu.memory_space<hbm>> -> memref<128xi32, #tpu.memory_space<hbm>>
        %dma_start3A_26 = tpu.memref_slice %arg4[%add3A_20] : memref<323584xi32, #tpu.memory_space<hbm>> -> memref<128xi32, #tpu.memory_space<hbm>>
        tpu.enqueue_dma source(%dma_start3A_26 : memref<128xi32, #tpu.memory_space<hbm>>) target(%arg8 : memref<128xi32, #tpu.memory_space<vmem>>) target_semaphore(%run_scoped3A : memref<!tpu.dma_semaphore, #tpu.memory_space<semaphore_mem>>)
        %dma_wait3A_27 = tpu.memref_slice %arg4[%add3A_20] : memref<323584xi32, #tpu.memory_space<hbm>> -> memref<128xi32, #tpu.memory_space<hbm>>
        %dma_wait3A_28 = tpu.memref_slice %arg4[%add3A_20] : memref<323584xi32, #tpu.memory_space<hbm>> -> memref<128xi32, #tpu.memory_space<hbm>>
        tpu.wait_dma2 semaphore(%run_scoped3A : memref<!tpu.dma_semaphore, #tpu.memory_space<semaphore_mem>>) src(%dma_wait3A_28 : memref<128xi32, #tpu.memory_space<hbm>>) dst(%arg8 : memref<128xi32, #tpu.memory_space<vmem>>)
        tpu.yield
      }) : () -> ()
      %dma_start3A = arith.constant 0 : i32
      %dma_start3A_21 = arith.constant 0 : i32
      %dma_start3A_22 = tpu.memref_slice %arg2[%dma_start3A, %dma_start3A_21] : memref<10112x128xf32, #tpu.memory_space<hbm>> -> memref<10112x128xf32, #tpu.memory_space<hbm>>
      tpu.enqueue_indirect_dma source(%dma_start3A_22 : memref<10112x128xf32, #tpu.memory_space<hbm>>) target(%arg9 : memref<128x128xf32, #tpu.memory_space<vmem>>) offsets(%arg7 : memref<128xi32, #tpu.memory_space<vmem>>) semaphore(%arg11 : memref<!tpu.dma_semaphore, #tpu.memory_space<semaphore_mem>>)
      %dma_wait3A = arith.constant 0 : i32
      %dma_wait3A_23 = arith.constant 0 : i32
      %dma_wait3A_24 = tpu.memref_slice %arg2[%dma_wait3A, %dma_wait3A_23] : memref<10112x128xf32, #tpu.memory_space<hbm>> -> memref<10112x128xf32, #tpu.memory_space<hbm>>
      tpu.wait_indirect_dma semaphore(%arg11 : memref<!tpu.dma_semaphore, #tpu.memory_space<semaphore_mem>>) src(%dma_wait3A_24 : memref<10112x128xf32, #tpu.memory_space<hbm>>) dst(%arg9 : memref<128x128xf32, #tpu.memory_space<vmem>>)
      "tpu.region"() ({
        %run_scoped3A = tpu.sem_alloc : memref<!tpu.dma_semaphore, #tpu.memory_space<semaphore_mem>>
        %dma_start3A_25 = arith.constant 0 : i32
        %dma_start3A_26 = arith.constant 0 : i32
        %dma_start3A_27 = tpu.memref_slice %arg10[%dma_start3A_25, %dma_start3A_26] : memref<10112x128xf32, #tpu.memory_space<vmem_shared>> -> memref<10112x128xf32, #tpu.memory_space<vmem_shared>>
        tpu.enqueue_indirect_dma source(%arg9 : memref<128x128xf32, #tpu.memory_space<vmem>>) target(%dma_start3A_27 : memref<10112x128xf32, #tpu.memory_space<vmem_shared>>) offsets(%arg8 : memref<128xi32, #tpu.memory_space<vmem>>) semaphore(%run_scoped3A : memref<!tpu.dma_semaphore, #tpu.memory_space<semaphore_mem>>) {add = true}
        %dma_wait3A_28 = arith.constant 0 : i32
        %dma_wait3A_29 = arith.constant 0 : i32
        %dma_wait3A_30 = tpu.memref_slice %arg10[%dma_wait3A_28, %dma_wait3A_29] : memref<10112x128xf32, #tpu.memory_space<vmem_shared>> -> memref<10112x128xf32, #tpu.memory_space<vmem_shared>>
        tpu.wait_indirect_dma semaphore(%run_scoped3A : memref<!tpu.dma_semaphore, #tpu.memory_space<semaphore_mem>>) src(%arg9 : memref<128x128xf32, #tpu.memory_space<vmem>>) dst(%dma_wait3A_30 : memref<10112x128xf32, #tpu.memory_space<vmem_shared>>)
        tpu.yield
      }) : () -> ()
    }
    %scan3A_11 = arith.constant 79 : i32
    %barrier3A_12 = arith.constant 0 : index
    tpu.barrier barrier_id(%barrier3A_12)
    %mul3A_13 = arith.constant 632 : i32
    %mul3A_14 = arith.muli %arg1, %mul3A_13 : i32
    %mul3A_15 = arith.constant 632 : i32
    %mul3A_16 = arith.muli %arg1, %mul3A_15 : i32
    "tpu.region"() ({
      %run_scoped3A = tpu.sem_alloc : memref<!tpu.dma_semaphore, #tpu.memory_space<semaphore_mem>>
      %dma_start3A = arith.constant 0 : i32
      %dma_start3A_17 = arith.constant 0 : i32
      %dma_start3A_18 = tpu.memref_slice %arg6[%arg0, %dma_start3A, %dma_start3A_17] : memref<2x10112x128xf32, #tpu.memory_space<hbm>> -> memref<1x10112x128xf32, #tpu.memory_space<hbm>>
      %dma_start3A_19 = tpu.memref_squeeze %dma_start3A_18 : memref<1x10112x128xf32, #tpu.memory_space<hbm>> -> memref<10112x128xf32, #tpu.memory_space<hbm>>
      %dma_start3A_20 = arith.constant 0 : i32
      %dma_start3A_21 = tpu.memref_slice %dma_start3A_19[%mul3A_16, %dma_start3A_20] : memref<10112x128xf32, #tpu.memory_space<hbm>> -> memref<632x128xf32, #tpu.memory_space<hbm>>
      %dma_start3A_22 = arith.constant 0 : i32
      %dma_start3A_23 = tpu.memref_slice %arg10[%mul3A_14, %dma_start3A_22] : memref<10112x128xf32, #tpu.memory_space<vmem_shared>> -> memref<632x128xf32, #tpu.memory_space<vmem_shared>>
      tpu.enqueue_dma source(%dma_start3A_23 : memref<632x128xf32, #tpu.memory_space<vmem_shared>>) target(%dma_start3A_21 : memref<632x128xf32, #tpu.memory_space<hbm>>) target_semaphore(%run_scoped3A : memref<!tpu.dma_semaphore, #tpu.memory_space<semaphore_mem>>)
      %dma_wait3A = arith.constant 0 : i32
      %dma_wait3A_24 = arith.constant 0 : i32
      %dma_wait3A_25 = tpu.memref_slice %arg6[%arg0, %dma_wait3A, %dma_wait3A_24] : memref<2x10112x128xf32, #tpu.memory_space<hbm>> -> memref<1x10112x128xf32, #tpu.memory_space<hbm>>
      %dma_wait3A_26 = tpu.memref_squeeze %dma_wait3A_25 : memref<1x10112x128xf32, #tpu.memory_space<hbm>> -> memref<10112x128xf32, #tpu.memory_space<hbm>>
      %dma_wait3A_27 = arith.constant 0 : i32
      %dma_wait3A_28 = tpu.memref_slice %dma_wait3A_26[%mul3A_16, %dma_wait3A_27] : memref<10112x128xf32, #tpu.memory_space<hbm>> -> memref<632x128xf32, #tpu.memory_space<hbm>>
      %dma_wait3A_29 = arith.constant 0 : i32
      %dma_wait3A_30 = tpu.memref_slice %arg10[%mul3A_14, %dma_wait3A_29] : memref<10112x128xf32, #tpu.memory_space<vmem_shared>> -> memref<632x128xf32, #tpu.memory_space<vmem_shared>>
      tpu.wait_dma2 semaphore(%run_scoped3A : memref<!tpu.dma_semaphore, #tpu.memory_space<semaphore_mem>>) src(%dma_wait3A_30 : memref<632x128xf32, #tpu.memory_space<vmem_shared>>) dst(%dma_wait3A_28 : memref<632x128xf32, #tpu.memory_space<hbm>>)
      tpu.yield
    }) : () -> ()
    return
  }
}

module attributes {stable_mosaic.version = 14 : i64} {
  func.func @_tc_mid_body(%arg0: memref<2x10112x128xf32, #tpu.memory_space<vmem>>, %arg1: memref<10112x128xf32, #tpu.memory_space<vmem>>, %arg2: memref<128x128xf32, #tpu.memory_space<vmem>>, %arg3: memref<1x128xf32, #tpu.memory_space<vmem>>, %arg4: memref<128x128xf32, #tpu.memory_space<vmem>>, %arg5: memref<1x128xf32, #tpu.memory_space<vmem>>, %arg6: memref<1x128xf32, #tpu.memory_space<vmem>>, %arg7: memref<1x128xf32, #tpu.memory_space<vmem>>, %arg8: memref<10112x128xf32, #tpu.memory_space<vmem>>) attributes {dimension_semantics = [], scalar_prefetch = 0 : i64, scratch_operands = 0 : i64, tpu.core_type = #tpu.core_type<tc>} {
    %get3A = arith.constant 0 : index
    %get3A_0 = arith.constant 0 : index
    %get3A_1 = arith.constant 0 : index
    %get3A_2 = vector.load %arg0[%get3A, %get3A_0, %get3A_1] : memref<2x10112x128xf32, #tpu.memory_space<vmem>>, vector<2x10112x128xf32>
    %slice3A = vector.extract_strided_slice %get3A_2 {offsets = [0, 0, 0], sizes = [1, 10112, 128], strides = [1, 1, 1]} : vector<2x10112x128xf32> to vector<1x10112x128xf32>
    %squeeze3A = vector.shape_cast %slice3A : vector<1x10112x128xf32> to vector<10112x128xf32>
    %slice3A_3 = vector.extract_strided_slice %get3A_2 {offsets = [1, 0, 0], sizes = [1, 10112, 128], strides = [1, 1, 1]} : vector<2x10112x128xf32> to vector<1x10112x128xf32>
    %squeeze3A_4 = vector.shape_cast %slice3A_3 : vector<1x10112x128xf32> to vector<10112x128xf32>
    %add3A = arith.addf %squeeze3A, %squeeze3A_4 : vector<10112x128xf32>
    %get3A_5 = arith.constant 0 : index
    %get3A_6 = arith.constant 0 : index
    %get3A_7 = vector.load %arg2[%get3A_5, %get3A_6] : memref<128x128xf32, #tpu.memory_space<vmem>>, vector<128x128xf32>
    %dot_general3A = arith.constant dense<0.000000e+00> : vector<10112x128xf32>
    %dot_general3A_8 = tpu.matmul %add3A, %get3A_7, %dot_general3A {dimension_numbers = #tpu.dot_dimension_numbers<[1], [0], [0], [1], [0, 0, 1, 1], [], []>, transpose_lhs_hint = false} : vector<10112x128xf32>, vector<128x128xf32>, vector<10112x128xf32> -> vector<10112x128xf32>
    %get3A_9 = arith.constant 0 : index
    %get3A_10 = arith.constant 0 : index
    %get3A_11 = vector.load %arg3[%get3A_9, %get3A_10] : memref<1x128xf32, #tpu.memory_space<vmem>>, vector<1x128xf32>
    %add3A_12 = vector.broadcast %get3A_11 : vector<1x128xf32> to vector<10112x128xf32>
    %add3A_13 = arith.addf %dot_general3A_8, %add3A_12 : vector<10112x128xf32>
    %get3A_14 = arith.constant 0 : index
    %get3A_15 = arith.constant 0 : index
    %get3A_16 = vector.load %arg1[%get3A_14, %get3A_15] : memref<10112x128xf32, #tpu.memory_space<vmem>>, vector<10112x128xf32>
    %get3A_17 = arith.constant 0 : index
    %get3A_18 = arith.constant 0 : index
    %get3A_19 = vector.load %arg4[%get3A_17, %get3A_18] : memref<128x128xf32, #tpu.memory_space<vmem>>, vector<128x128xf32>
    %dot_general3A_20 = arith.constant dense<0.000000e+00> : vector<10112x128xf32>
    %dot_general3A_21 = tpu.matmul %get3A_16, %get3A_19, %dot_general3A_20 {dimension_numbers = #tpu.dot_dimension_numbers<[1], [0], [0], [1], [0, 0, 1, 1], [], []>, transpose_lhs_hint = false} : vector<10112x128xf32>, vector<128x128xf32>, vector<10112x128xf32> -> vector<10112x128xf32>
    %add3A_22 = arith.addf %add3A_13, %dot_general3A_21 : vector<10112x128xf32>
    %iota3A = tpu.iota {dimensions = array<i32: 0>} : vector<10112x1xi32>
    %lt3A = arith.constant 10000 : i32
    %lt3A_23 = vector.broadcast %lt3A : i32 to vector<10112x1xi32>
    %lt3A_24 = arith.cmpi slt, %iota3A, %lt3A_23 : vector<10112x1xi32>
    %convert_element_type3A = arith.extui %lt3A_24 : vector<10112x1xi1> to vector<10112x1xi32>
    %convert_element_type3A_25 = arith.sitofp %convert_element_type3A : vector<10112x1xi32> to vector<10112x1xf32>
    %mul3A = vector.broadcast %convert_element_type3A_25 : vector<10112x1xf32> to vector<10112x128xf32>
    %mul3A_26 = arith.mulf %add3A_22, %mul3A : vector<10112x128xf32>
    %reduce_sum3A = arith.constant dense<0.000000e+00> : vector<128xf32>
    %reduce_sum3A_27 = vector.multi_reduction <add>, %mul3A_26, %reduce_sum3A [0] : vector<10112x128xf32> to vector<128xf32>
    %broadcast_in_dim3A = vector.shape_cast %reduce_sum3A_27 : vector<128xf32> to vector<1x128xf32>
    %mul3A_28 = arith.constant 9.99999974E-5 : f32
    %mul3A_29 = vector.broadcast %mul3A_28 : f32 to vector<1x128xf32>
    %mul3A_30 = arith.mulf %broadcast_in_dim3A, %mul3A_29 : vector<1x128xf32>
    %get3A_31 = arith.constant 0 : index
    %get3A_32 = arith.constant 0 : index
    %get3A_33 = vector.load %arg7[%get3A_31, %get3A_32] : memref<1x128xf32, #tpu.memory_space<vmem>>, vector<1x128xf32>
    %mul3A_34 = arith.mulf %get3A_33, %mul3A_30 : vector<1x128xf32>
    %sub3A = vector.broadcast %mul3A_34 : vector<1x128xf32> to vector<10112x128xf32>
    %sub3A_35 = arith.subf %add3A_22, %sub3A : vector<10112x128xf32>
    %mul3A_36 = vector.broadcast %convert_element_type3A_25 : vector<10112x1xf32> to vector<10112x128xf32>
    %mul3A_37 = arith.mulf %sub3A_35, %mul3A_36 : vector<10112x128xf32>
    %mul3A_38 = arith.mulf %mul3A_37, %mul3A_37 : vector<10112x128xf32>
    %reduce_sum3A_39 = arith.constant dense<0.000000e+00> : vector<128xf32>
    %reduce_sum3A_40 = vector.multi_reduction <add>, %mul3A_38, %reduce_sum3A_39 [0] : vector<10112x128xf32> to vector<128xf32>
    %broadcast_in_dim3A_41 = vector.shape_cast %reduce_sum3A_40 : vector<128xf32> to vector<1x128xf32>
    %mul3A_42 = arith.constant 9.99999974E-5 : f32
    %mul3A_43 = vector.broadcast %mul3A_42 : f32 to vector<1x128xf32>
    %mul3A_44 = arith.mulf %broadcast_in_dim3A_41, %mul3A_43 : vector<1x128xf32>
    %get3A_45 = arith.constant 0 : index
    %get3A_46 = arith.constant 0 : index
    %get3A_47 = vector.load %arg5[%get3A_45, %get3A_46] : memref<1x128xf32, #tpu.memory_space<vmem>>, vector<1x128xf32>
    %mul3A_48 = vector.broadcast %get3A_47 : vector<1x128xf32> to vector<10112x128xf32>
    %mul3A_49 = arith.mulf %mul3A_48, %sub3A_35 : vector<10112x128xf32>
    %add3A_50 = arith.constant 9.99999974E-6 : f32
    %add3A_51 = vector.broadcast %add3A_50 : f32 to vector<1x128xf32>
    %add3A_52 = arith.addf %mul3A_44, %add3A_51 : vector<1x128xf32>
    %rsqrt3A = math.rsqrt %add3A_52 : vector<1x128xf32>
    %mul3A_53 = vector.broadcast %rsqrt3A : vector<1x128xf32> to vector<10112x128xf32>
    %mul3A_54 = arith.mulf %mul3A_49, %mul3A_53 : vector<10112x128xf32>
    %get3A_55 = arith.constant 0 : index
    %get3A_56 = arith.constant 0 : index
    %get3A_57 = vector.load %arg6[%get3A_55, %get3A_56] : memref<1x128xf32, #tpu.memory_space<vmem>>, vector<1x128xf32>
    %add3A_58 = vector.broadcast %get3A_57 : vector<1x128xf32> to vector<10112x128xf32>
    %add3A_59 = arith.addf %mul3A_54, %add3A_58 : vector<10112x128xf32>
    %ge3A = arith.constant 0.000000e+00 : f32
    %ge3A_60 = vector.broadcast %ge3A : f32 to vector<10112x128xf32>
    %ge3A_61 = arith.cmpf oge, %add3A_59, %ge3A_60 : vector<10112x128xf32>
    %mul3A_62 = arith.constant 1.000000e-01 : f32
    %mul3A_63 = vector.broadcast %mul3A_62 : f32 to vector<10112x128xf32>
    %mul3A_64 = arith.mulf %mul3A_63, %add3A_59 : vector<10112x128xf32>
    %select_n3A = arith.select %ge3A_61, %add3A_59, %mul3A_64 : vector<10112x128xi1>, vector<10112x128xf32>
    %swap3A = arith.constant 0 : index
    %swap3A_65 = arith.constant 0 : index
    %swap3A_66 = vector.load %arg8[%swap3A, %swap3A_65] : memref<10112x128xf32, #tpu.memory_space<vmem>>, vector<10112x128xf32>
    tpu.vector_store %arg8[%swap3A, %swap3A_65], %select_n3A {strides = array<i32>} : memref<10112x128xf32, #tpu.memory_space<vmem>>, vector<10112x128xf32>,
    return
  }
}

module attributes {stable_mosaic.version = 14 : i64} {
  func.func @_tc_fin_body(%arg0: memref<2x10112x128xf32, #tpu.memory_space<vmem>>, %arg1: memref<10112x128xf32, #tpu.memory_space<vmem>>, %arg2: memref<10112x128xf32, #tpu.memory_space<vmem>>, %arg3: memref<128x128xf32, #tpu.memory_space<vmem>>, %arg4: memref<1x128xf32, #tpu.memory_space<vmem>>, %arg5: memref<128x128xf32, #tpu.memory_space<vmem>>, %arg6: memref<1x128xf32, #tpu.memory_space<vmem>>, %arg7: memref<1x128xf32, #tpu.memory_space<vmem>>, %arg8: memref<1x128xf32, #tpu.memory_space<vmem>>, %arg9: memref<128x128xf32, #tpu.memory_space<vmem>>, %arg10: memref<1x128xf32, #tpu.memory_space<vmem>>, %arg11: memref<1x128xf32, #tpu.memory_space<vmem>>) attributes {dimension_semantics = [], scalar_prefetch = 0 : i64, scratch_operands = 0 : i64, tpu.core_type = #tpu.core_type<tc>} {
    %get3A = arith.constant 0 : index
    %get3A_0 = arith.constant 0 : index
    %get3A_1 = arith.constant 0 : index
    %get3A_2 = vector.load %arg0[%get3A, %get3A_0, %get3A_1] : memref<2x10112x128xf32, #tpu.memory_space<vmem>>, vector<2x10112x128xf32>
    %slice3A = vector.extract_strided_slice %get3A_2 {offsets = [0, 0, 0], sizes = [1, 10112, 128], strides = [1, 1, 1]} : vector<2x10112x128xf32> to vector<1x10112x128xf32>
    %squeeze3A = vector.shape_cast %slice3A : vector<1x10112x128xf32> to vector<10112x128xf32>
    %slice3A_3 = vector.extract_strided_slice %get3A_2 {offsets = [1, 0, 0], sizes = [1, 10112, 128], strides = [1, 1, 1]} : vector<2x10112x128xf32> to vector<1x10112x128xf32>
    %squeeze3A_4 = vector.shape_cast %slice3A_3 : vector<1x10112x128xf32> to vector<10112x128xf32>
    %add3A = arith.addf %squeeze3A, %squeeze3A_4 : vector<10112x128xf32>
    %get3A_5 = arith.constant 0 : index
    %get3A_6 = arith.constant 0 : index
    %get3A_7 = vector.load %arg3[%get3A_5, %get3A_6] : memref<128x128xf32, #tpu.memory_space<vmem>>, vector<128x128xf32>
    %dot_general3A = arith.constant dense<0.000000e+00> : vector<10112x128xf32>
    %dot_general3A_8 = tpu.matmul %add3A, %get3A_7, %dot_general3A {dimension_numbers = #tpu.dot_dimension_numbers<[1], [0], [0], [1], [0, 0, 1, 1], [], []>, transpose_lhs_hint = false} : vector<10112x128xf32>, vector<128x128xf32>, vector<10112x128xf32> -> vector<10112x128xf32>
    %get3A_9 = arith.constant 0 : index
    %get3A_10 = arith.constant 0 : index
    %get3A_11 = vector.load %arg4[%get3A_9, %get3A_10] : memref<1x128xf32, #tpu.memory_space<vmem>>, vector<1x128xf32>
    %add3A_12 = vector.broadcast %get3A_11 : vector<1x128xf32> to vector<10112x128xf32>
    %add3A_13 = arith.addf %dot_general3A_8, %add3A_12 : vector<10112x128xf32>
    %get3A_14 = arith.constant 0 : index
    %get3A_15 = arith.constant 0 : index
    %get3A_16 = vector.load %arg1[%get3A_14, %get3A_15] : memref<10112x128xf32, #tpu.memory_space<vmem>>, vector<10112x128xf32>
    %get3A_17 = arith.constant 0 : index
    %get3A_18 = arith.constant 0 : index
    %get3A_19 = vector.load %arg5[%get3A_17, %get3A_18] : memref<128x128xf32, #tpu.memory_space<vmem>>, vector<128x128xf32>
    %dot_general3A_20 = arith.constant dense<0.000000e+00> : vector<10112x128xf32>
    %dot_general3A_21 = tpu.matmul %get3A_16, %get3A_19, %dot_general3A_20 {dimension_numbers = #tpu.dot_dimension_numbers<[1], [0], [0], [1], [0, 0, 1, 1], [], []>, transpose_lhs_hint = false} : vector<10112x128xf32>, vector<128x128xf32>, vector<10112x128xf32> -> vector<10112x128xf32>
    %add3A_22 = arith.addf %add3A_13, %dot_general3A_21 : vector<10112x128xf32>
    %iota3A = tpu.iota {dimensions = array<i32: 0>} : vector<10112x1xi32>
    %lt3A = arith.constant 10000 : i32
    %lt3A_23 = vector.broadcast %lt3A : i32 to vector<10112x1xi32>
    %lt3A_24 = arith.cmpi slt, %iota3A, %lt3A_23 : vector<10112x1xi32>
    %convert_element_type3A = arith.extui %lt3A_24 : vector<10112x1xi1> to vector<10112x1xi32>
    %convert_element_type3A_25 = arith.sitofp %convert_element_type3A : vector<10112x1xi32> to vector<10112x1xf32>
    %mul3A = vector.broadcast %convert_element_type3A_25 : vector<10112x1xf32> to vector<10112x128xf32>
    %mul3A_26 = arith.mulf %add3A_22, %mul3A : vector<10112x128xf32>
    %reduce_sum3A = arith.constant dense<0.000000e+00> : vector<128xf32>
    %reduce_sum3A_27 = vector.multi_reduction <add>, %mul3A_26, %reduce_sum3A [0] : vector<10112x128xf32> to vector<128xf32>
    %broadcast_in_dim3A = vector.shape_cast %reduce_sum3A_27 : vector<128xf32> to vector<1x128xf32>
    %mul3A_28 = arith.constant 9.99999974E-5 : f32
    %mul3A_29 = vector.broadcast %mul3A_28 : f32 to vector<1x128xf32>
    %mul3A_30 = arith.mulf %broadcast_in_dim3A, %mul3A_29 : vector<1x128xf32>
    %get3A_31 = arith.constant 0 : index
    %get3A_32 = arith.constant 0 : index
    %get3A_33 = vector.load %arg8[%get3A_31, %get3A_32] : memref<1x128xf32, #tpu.memory_space<vmem>>, vector<1x128xf32>
    %mul3A_34 = arith.mulf %get3A_33, %mul3A_30 : vector<1x128xf32>
    %sub3A = vector.broadcast %mul3A_34 : vector<1x128xf32> to vector<10112x128xf32>
    %sub3A_35 = arith.subf %add3A_22, %sub3A : vector<10112x128xf32>
    %mul3A_36 = vector.broadcast %convert_element_type3A_25 : vector<10112x1xf32> to vector<10112x128xf32>
    %mul3A_37 = arith.mulf %sub3A_35, %mul3A_36 : vector<10112x128xf32>
    %mul3A_38 = arith.mulf %mul3A_37, %mul3A_37 : vector<10112x128xf32>
    %reduce_sum3A_39 = arith.constant dense<0.000000e+00> : vector<128xf32>
    %reduce_sum3A_40 = vector.multi_reduction <add>, %mul3A_38, %reduce_sum3A_39 [0] : vector<10112x128xf32> to vector<128xf32>
    %broadcast_in_dim3A_41 = vector.shape_cast %reduce_sum3A_40 : vector<128xf32> to vector<1x128xf32>
    %mul3A_42 = arith.constant 9.99999974E-5 : f32
    %mul3A_43 = vector.broadcast %mul3A_42 : f32 to vector<1x128xf32>
    %mul3A_44 = arith.mulf %broadcast_in_dim3A_41, %mul3A_43 : vector<1x128xf32>
    %get3A_45 = arith.constant 0 : index
    %get3A_46 = arith.constant 0 : index
    %get3A_47 = vector.load %arg6[%get3A_45, %get3A_46] : memref<1x128xf32, #tpu.memory_space<vmem>>, vector<1x128xf32>
    %mul3A_48 = vector.broadcast %get3A_47 : vector<1x128xf32> to vector<10112x128xf32>
    %mul3A_49 = arith.mulf %mul3A_48, %sub3A_35 : vector<10112x128xf32>
    %add3A_50 = arith.constant 9.99999974E-6 : f32
    %add3A_51 = vector.broadcast %add3A_50 : f32 to vector<1x128xf32>
    %add3A_52 = arith.addf %mul3A_44, %add3A_51 : vector<1x128xf32>
    %rsqrt3A = math.rsqrt %add3A_52 : vector<1x128xf32>
    %mul3A_53 = vector.broadcast %rsqrt3A : vector<1x128xf32> to vector<10112x128xf32>
    %mul3A_54 = arith.mulf %mul3A_49, %mul3A_53 : vector<10112x128xf32>
    %get3A_55 = arith.constant 0 : index
    %get3A_56 = arith.constant 0 : index
    %get3A_57 = vector.load %arg7[%get3A_55, %get3A_56] : memref<1x128xf32, #tpu.memory_space<vmem>>, vector<1x128xf32>
    %add3A_58 = vector.broadcast %get3A_57 : vector<1x128xf32> to vector<10112x128xf32>
    %add3A_59 = arith.addf %mul3A_54, %add3A_58 : vector<10112x128xf32>
    %get3A_60 = arith.constant 0 : index
    %get3A_61 = arith.constant 0 : index
    %get3A_62 = vector.load %arg2[%get3A_60, %get3A_61] : memref<10112x128xf32, #tpu.memory_space<vmem>>, vector<10112x128xf32>
    %add3A_63 = arith.addf %get3A_62, %add3A_59 : vector<10112x128xf32>
    %max3A = arith.constant 0.000000e+00 : f32
    %max3A_64 = vector.broadcast %max3A : f32 to vector<10112x128xf32>
    %max3A_65 = arith.maximumf %add3A_63, %max3A_64 : vector<10112x128xf32>
    %iota3A_66 = tpu.iota {dimensions = array<i32: 0>} : vector<10112x1xi32>
    %lt3A_67 = arith.constant 10000 : i32
    %lt3A_68 = vector.broadcast %lt3A_67 : i32 to vector<10112x1xi32>
    %lt3A_69 = arith.cmpi slt, %iota3A_66, %lt3A_68 : vector<10112x1xi32>
    %convert_element_type3A_70 = arith.extui %lt3A_69 : vector<10112x1xi1> to vector<10112x1xi32>
    %convert_element_type3A_71 = arith.sitofp %convert_element_type3A_70 : vector<10112x1xi32> to vector<10112x1xf32>
    %mul3A_72 = vector.broadcast %convert_element_type3A_71 : vector<10112x1xf32> to vector<10112x128xf32>
    %mul3A_73 = arith.mulf %max3A_65, %mul3A_72 : vector<10112x128xf32>
    %reduce_sum3A_74 = arith.constant dense<0.000000e+00> : vector<128xf32>
    %reduce_sum3A_75 = vector.multi_reduction <add>, %mul3A_73, %reduce_sum3A_74 [0] : vector<10112x128xf32> to vector<128xf32>
    %broadcast_in_dim3A_76 = vector.shape_cast %reduce_sum3A_75 : vector<128xf32> to vector<1x128xf32>
    %mul3A_77 = arith.constant 9.99999974E-5 : f32
    %mul3A_78 = vector.broadcast %mul3A_77 : f32 to vector<1x128xf32>
    %mul3A_79 = arith.mulf %broadcast_in_dim3A_76, %mul3A_78 : vector<1x128xf32>
    %get3A_80 = arith.constant 0 : index
    %get3A_81 = arith.constant 0 : index
    %get3A_82 = vector.load %arg9[%get3A_80, %get3A_81] : memref<128x128xf32, #tpu.memory_space<vmem>>, vector<128x128xf32>
    %dot_general3A_83 = arith.constant dense<0.000000e+00> : vector<1x128xf32>
    %dot_general3A_84 = tpu.matmul %mul3A_79, %get3A_82, %dot_general3A_83 {dimension_numbers = #tpu.dot_dimension_numbers<[1], [0], [0], [1], [0, 0, 1, 1], [], []>, transpose_lhs_hint = false} : vector<1x128xf32>, vector<128x128xf32>, vector<1x128xf32> -> vector<1x128xf32>
    %get3A_85 = arith.constant 0 : index
    %get3A_86 = arith.constant 0 : index
    %get3A_87 = vector.load %arg10[%get3A_85, %get3A_86] : memref<1x128xf32, #tpu.memory_space<vmem>>, vector<1x128xf32>
    %add3A_88 = arith.addf %dot_general3A_84, %get3A_87 : vector<1x128xf32>
    %max3A_89 = arith.constant 0.000000e+00 : f32
    %max3A_90 = vector.broadcast %max3A_89 : f32 to vector<1x128xf32>
    %max3A_91 = arith.maximumf %add3A_88, %max3A_90 : vector<1x128xf32>
    %swap3A = arith.constant 0 : index
    %swap3A_92 = arith.constant 0 : index
    %swap3A_93 = vector.load %arg11[%swap3A, %swap3A_92] : memref<1x128xf32, #tpu.memory_space<vmem>>, vector<1x128xf32>
    tpu.vector_store %arg11[%swap3A, %swap3A_92], %max3A_91 {strides = array<i32>} : memref<1x128xf32, #tpu.memory_space<vmem>>, vector<1x128xf32>,
    return
  }
}

</mosaic_0001>

<sc_bundles>
// kernel: kernel.10.cloned.1.call-start
scs
__scs_entry_jumppad:
0x0: {  	(pc) =	sbr.rel $0x88, $3  }
0x1: {  	(tag) =	ssettag $0x0;
	lr =	simm.s32 $0x1  }
0x2: {  	[smem:$0x3F85] =	sst lr;
	_ =	strace $0xD0000000  }
0x3: {  	_ = 	snop  }
0x4: {  	_ = 	snop  }
0x5: {  	_ = 	snop  }
0x6: {  	_ = 	snop  }
0x7: {  	_ = 	snop  }
__scs_overlays_trampoline_lowered:
0x8: {  	[smem:$0x3F94] =	sst s0  }
0x9: {  	[smem:$0x3F95] =	sst s1  }
0xa: {  	[smem:$0x3F96] =	sst s2  }
0xb: {  	[smem:$0x3F97] =	sst s3  }
0xc: {  	[smem:$0x3F98] =	sst s4  }
0xd: {  	[smem:$0x3F99] =	sst s5  }
0xe: {  	[smem:$0x3F9A] =	sst s6  }
0xf: {  	[smem:$0x3F9B] =	sst s7  }
0x10: {  	[smem:$0x3F9C] =	sst s8  }
0x11: {  	[smem:$0x3F9D] =	sst s9;
	s0 =	simm.s32 @!p0 $0x0  }
0x12: {  	s1 =	sld [smem:$0x3F83];
	s0 =	simm.s32 @p0 $0x1  }
0x13: {  	[smem:$0x3F9E] =	sst s0;
	s0 =	simm.s32 @!p1 $0x0  }
0x14: {  	s2 =	sld [smem:$0x3F82];
	s0 =	simm.s32 @p1 $0x1  }
0x15: {  	[smem:$0x3F9F] =	sst s0;
	s0 =	simm.s32 @!p2 $0x0  }
0x16: {  	s3 =	sld [smem:$0x3FDB];
	s0 =	simm.s32 @p2 $0x1  }
0x17: {  	s4 =	simm.s32 $0x1BF5;
	[smem:$0x3FA1] =	sst s0  }
0x18: {  	s0 =	sld [smem:$0x3F84];
	_ =	swait.ge [sflag:s4], $0x0  }
0x19: {  	s7 =	sld [smem:$0x3F85]  }
0x1a: {  	s8 =	sadd.s32 $0xFFFFE003, lr  }
0x1b: {  	s9 =	sadd.s32 $0xFFFFFEF7, lr;
	s5 =	simm.s32 $0xFFFFFFFF;
	p2 =	slt.u32 s8, $0xFFFFF086  }
0x1c: {  	p1 =	slt.u32 s9, $0xF7A;
	s5 =	simm.s32 @!p2 $0x0  }
0x1d: {  	s5 =	simm.s32 @p1 $0x1;
	p0 =	seq.s32 s7, s2  }
0x1e: {  	s7 =	smul.u32 @!p0 $0xF7A, s2;
	p2 =	seq.s32 @!p0 s5, $0x0  }
0x1f: {  	s9 =	smul.u32 $0xF7A, s1;
	s8 =	simm.s32 @!p0 $0x1BF5;
	p2 =	por !p2, p0  }
0x20: {  	[sflag:s8] =	ssyncset.s32 @!p0 $0xFFFFF086;
	s6 =	sadd.s32 @!p0 s3, s7;
	s7 =	simm.s32 @!p0 $0x108  }
0x21: {  	s3 =	sadd.s32 s3, s9;
	s6 =	sadd.s32 @!p0 $0x88, s6;
	s7 =	simm.s32 @p2 $0x1082  }
0x22: {  	[simem:s7], [sflag:s8] =	dma.local @!p0 [hbm:s6], $0xF7A  }
0x23: {  	s9 =	sor.u32 $0xD0000000, s2;
	s6 =	simm.s32 $0x108;
	_ =	swait.ge @!p0 [sflag:s8], $0x0  }
0x24: {  	s3 =	sadd.s32 $0x88, s3;
	s6 =	simm.s32 @!p1 $0x1082;
	[sflag:s4] =	ssyncset.s32 $0xFFFFF086  }
0x25: {  	[simem:s6], [sflag:s4] =	dma.local [hbm:s3], $0xF7A  }
0x26: {  	[smem:$0x3F85] =	sst s1;
	(tag) =	ssettag s2;
	_ =	strace s9  }
0x27: {  	s1 =	sld [smem:$0x3F95]  }
0x28: {  	s2 =	sld [smem:$0x3F96]  }
0x29: {  	s4 =	sld [smem:$0x3F98]  }
0x2a: {  	p0 =	seq.s32 s5, $0x0;
	s5 =	sld [smem:$0x3F99]  }
0x2b: {  	s6 =	sld [smem:$0x3F9A]  }
0x2c: {  	s7 =	sld [smem:$0x3F9B]  }
0x2d: {  	s3 =	simm.s32 $0x108;
	s8 =	sld [smem:$0x3F9C]  }
0x2e: {  	s3 =	simm.s32 @!p0 $0x1082;
	s9 =	sld [smem:$0x3F9D]  }
0x2f: {  	lr =	sadd.s32 s0, s3;
	s0 =	sld [smem:$0x3F94]  }
0x30: {  	s3 =	sld [smem:$0x3F97]  }
0x31: {  	[smem:$0x3FA0] =	sst s10  }
0x32: {  	s10 =	sld [smem:$0x3F9E];
	_ =	sdelay $0x3  }
0x33: {  	p0 =	seq.s32 s10, $0x1;
	s10 =	sld [smem:$0x3FA0];
	_ =	sdelay $0x3  }
0x34: {  	[smem:$0x3FA0] =	sst s10  }
0x35: {  	s10 =	sld [smem:$0x3F9F];
	_ =	sdelay $0x3  }
0x36: {  	p1 =	seq.s32 s10, $0x1;
	s10 =	sld [smem:$0x3FA0];
	_ =	sdelay $0x3  }
0x37: {  	[smem:$0x3FA0] =	sst s10  }
0x38: {  	s10 =	sld [smem:$0x3FA1]  }
0x39: {  	_ = 	snop;
	(pc) =	sbr.ind lr, $3  }
0x3a: {  	_ = 	snop  }
0x3b: {  	_ = 	snop  }
0x3c: {  	p2 =	seq.s32 s10, $0x1;
	s10 =	sld [smem:$0x3FA0]  }
0x3d: {  	_ =	shalt  }
0x3e: {  	_ =	shalt  }
0x3f: {  	_ =	shalt  }
0x40: {  	_ =	shalt  }
0x41: {  	_ =	shalt  }
0x42: {  	_ =	shalt  }
0x43: {  	_ =	shalt  }
0x44: {  	_ =	shalt  }
0x45: {  	_ =	shalt  }
0x46: {  	_ =	shalt  }
0x47: {  	_ =	shalt  }
0x48: {  	_ =	shalt  }
0x49: {  	_ =	shalt  }
0x4a: {  	_ =	shalt  }
0x4b: {  	_ =	shalt  }
0x4c: {  	_ =	shalt  }
0x4d: {  	_ =	shalt  }
0x4e: {  	_ =	shalt  }
0x4f: {  	_ =	shalt  }
0x50: {  	_ =	shalt  }
0x51: {  	_ =	shalt  }
0x52: {  	_ =	shalt  }
0x53: {  	_ =	shalt  }
0x54: {  	_ =	shalt  }
0x55: {  	_ =	shalt  }
0x56: {  	_ =	shalt  }
0x57: {  	_ =	shalt  }
0x58: {  	_ =	shalt  }
0x59: {  	_ =	shalt  }
0x5a: {  	_ =	shalt  }
0x5b: {  	_ =	shalt  }
0x5c: {  	_ =	shalt  }
0x5d: {  	_ =	shalt  }
0x5e: {  	_ =	shalt  }
0x5f: {  	_ =	shalt  }
0x60: {  	_ =	shalt  }
0x61: {  	_ =	shalt  }
0x62: {  	_ =	shalt  }
0x63: {  	_ =	shalt  }
0x64: {  	_ =	shalt  }
0x65: {  	_ =	shalt  }
0x66: {  	_ =	shalt  }
0x67: {  	_ =	shalt  }
0x68: {  	_ =	shalt  }
0x69: {  	_ =	shalt  }
0x6a: {  	_ =	shalt  }
0x6b: {  	_ =	shalt  }
0x6c: {  	_ =	shalt  }
0x6d: {  	_ =	shalt  }
0x6e: {  	_ =	shalt  }
0x6f: {  	_ =	shalt  }
0x70: {  	_ =	shalt  }
0x71: {  	_ =	shalt  }
0x72: {  	_ =	shalt  }
0x73: {  	_ =	shalt  }
0x74: {  	_ =	shalt  }
0x75: {  	_ =	shalt  }
0x76: {  	_ =	shalt  }
0x77: {  	_ =	shalt  }
0x78: {  	_ =	shalt  }
0x79: {  	_ =	shalt  }
0x7a: {  	_ =	shalt  }
0x7b: {  	_ =	shalt  }
0x7c: {  	_ =	shalt  }
0x7d: {  	_ =	shalt  }
0x7e: {  	_ =	shalt  }
0x7f: {  	_ =	shalt  }
0x80: {  	_ =	shalt  }
0x81: {  	_ =	shalt  }
0x82: {  	_ =	shalt  }
0x83: {  	_ =	shalt  }
0x84: {  	_ =	shalt  }
0x85: {  	_ =	shalt  }
0x86: {  	_ =	shalt  }
0x87: {  	_ =	shalt  }
.Lfunc_end0:
.L_simem_size_0:
called_computation_lowered:
.L_overlay_start_0:
0x88: {  	s2 =	sld [smem:$0x3FD9]  }
0x89: {  	s3 =	sld [smem:$0x3FFE];
	_ =	sdelay $0x1  }
0x8a: {  	s1 =	srdreg.scid  }
0x8b: {  	s0 =	sand.u32 $0x1, s1  }
0x8c: {  	s16 =	sshll.u32 s0, $0xA;
	s2 =	sadd.s32 s3, s2  }
0x8d: {  	s2 =	sadd.s32 s2, s16  }
0x8e: {  	[smem:$0x3FAC] =	sst s2  }
0x8f: {  	_ = 	snop  }
0x90: {  	(tm) =	ssettm $0x1  }
0x91: {  	s17 =	sld [smem:$0x3FFB];
	_ =	sdelay $0x3  }
0x92: {  	_ =	strace s17  }
0x93: {  	s2 =	sld [smem:$0x3FFC];
	_ =	sdelay $0x3  }
0x94: {  	_ =	strace s2  }
0x95: {  	s2 =	sld [smem:$0x3FFD];
	_ =	sdelay $0x3  }
0x96: {  	_ =	strace s2  }
0x97: {  	_ =	strace $0x8FFFFFFF  }
0x98: {  	s18 =	sld [smem:$0x3FDB];
	_ =	sdelay $0x1  }
0x99: {  	s19 =	simm.s32 $_scs_section_size  }
0x9a: {  	s4 =	simm.s32 $_size__tile_overlayer_lowered;
	s5 =	simm.s32 $_tile_overlayer_lowered  }
0x9b: {  	s22 =	simm.s32 $0x1BFF;
	s21 =	sshll.u32 s5, $0x1;
	s2 =	sadd.s32 s19, s18  }
0x9c: {  	s6 =	simm.s32 $0x0;
	s20 =	sshll.u32 s4, $0x1;
	s4 =	sadd.s32 s21, s2  }
0x9d: {  	[timem:s6], [sflag:s22] =	dma.local [hbm:s4], s20  }
0x9e: {  	_ =	swait.ge [sflag:s22], s20  }
0x9f: {  	s3 =	ssub.s32 $0x0, s20;
	[sflag:s22] =	ssyncset.done $0x0  }
0xa0: {  	[sflag:s22] =	ssyncadd.s32 s3;
	_ =	sdelay $0x1  }
0xa1: {  	s23 =	simm.s32 $0x1B8B  }
0xa2: {  	_ =	swait.ge [sflag:s23], $0x1  }
0xa3: {  	[sflag:s23] =	ssyncset.done $0x0  }
0xa4: {  	s25 =	simm.s32 $0x1B8E;
	s24 =	sld [smem:$0x3FFE];
	[sflag:s23] =	ssyncadd.s32 $0xFFFFFFFF  }
0xa5: {  	s26 =	simm.s32 $execute0_lowered;
	[smem:$0x3FD2] =	sst s25  }
0xa6: {  	s4 =	sshll.u32 s26, $0x1;
	_ =	strace $0x80000046;
	[dreg:$0x1] =	wrdreg $0xFFFFFFFF  }
0xa7: {  	s28 =	simm.s32 $_size_execute0_lowered;
	s2 =	sadd.s32 s2, s4;
	[dreg:$0x0] =	wrdreg $0x0  }
0xa8: {  	s4 =	sshll.u32 s28, $0x1;
	[dreg:$0x2] =	wrdreg s2  }
0xa9: {  	[dreg:$0x3] =	wrdreg s4  }
0xaa: {  	[dreg:$0x4] =	wrdreg $0xC0  }
0xab: {  	_ =	task [dreg:s6], $0x5FFFF  }
0xac: {  	[dreg:$0x1] =	wrdreg $0xFFFFFFFF  }
0xad: {  	[dreg:$0x0] =	wrdreg $0x60  }
0xae: {  	[dreg:$0x2] =	wrdreg s24  }
0xaf: {  	[dreg:$0x3] =	wrdreg $0x41000  }
0xb0: {  	[dreg:$0x4] =	wrdreg $0x9  }
0xb1: {  	_ =	task.clear_ibuf [dreg:s6], $0x5FFFF;
	_ =	strace $0x90000046  }
0xb2: {  	s29 =	simm.s32 $0x9;
	_ =	strace $0x80000048  }
0xb3: {  	_ =	swait.ge [sflag:s29], $0x1  }
0xb4: {  	[sflag:s29] =	ssyncadd.s32 $0xFFFFFFFF  }
0xb5: {  	_ =	strace $0x90000048  }
0xb6: {  	_ =	sfence  }
0xb7: {  	s30 =	sld [smem:$0x0];
	_ =	sdelay $0x2  }
0xb8: {  	s31 =	sshll.u32 s1, $0xD;
	s1 =	sshrl.u32 s1, $0x2  }
0xb9: {  	s3 =	sand.u32 $0x4000, s31;
	s1 =	sadd.s32 s1, s30  }
0xba: {  	s0 =	sor.u32 s3, s0;
	s1 =	sshll.u32 s1, $0x11  }
0xbb: {  	s0 =	sor.u32 s1, s0  }
0xbc: {  	s0 =	sadd.s32 $0x8F2B, s0  }
0xbd: {  	[sflag:s0] =	ssyncadd.remote.s32 $0x1  }
0xbe: {  	_ =	sfence.sel $0xFFFF  }
0xbf: {  	[dreg:$0x0] =	wrdreg $0xFFFFFFFF;
	(pc) =	sbr.abs _section_cstart, $3  }
0xc0: {  	[dreg:$0x1] =	wrdreg $0xFFFFFFFF  }
0xc1: {  	_ =	task.clear_ibuf [dreg:s6], $0x2FFFF;
	_ =	strace $0x9FFFFFFF  }
0xc2: {  	(tm) =	ssettm $0x7FFFFFFF  }
0xc3: {  	_ =	shalt  }
tec
execute0_lowered:
.L_overlay_start_1:
0x0: {  	(tag) =	ssettag $0x1  }
0x1: {  	s5 =	rddreg [dreg:$0x0]  }
0x2: {  	s1 =	rddreg [dreg:$0x1];
	s3 =	srdreg.scid  }
0x3: {  	s0 =	rddreg [dreg:$0x2];
	s6 =	sand.u32 $0x1, s3  }
0x4: {  	s2 =	simm.s32 $0x0;
	s3 =	stileid.u32;
	s7 =	smul.u32 $0x4F00, s6  }
0x5: {  	s13 =	simm.s32 $0x100;
	s14 =	simm.s32 $0x1;
	s15 =	smul.u32 $0x2780, s3  }
0x6: {  	[smem:$0x7FF] =	sst s2;
	s4 =	sadd.s32 $0x19000, s5;
	s8 =	smul.u32 $0x27800, s6  }
0x7: {  	_ =	strace $0x80000047;
	s6 =	ssub.s32 $0x2, s6;
	s10 =	smul.u32 $0x4F000, s3  }
0x8: {  	s30 =	sshll.u32 s3, $0x6;
	s31 =	smul.u32 $0x4F0, s3;
	s28 =	sshrl.u32 s6, $0x1  }
0x9: {  	s9 =	sadd.s32 s7, s5;
	s11 =	sadd.s32 s15, s5;
	s8 =	sadd.s32 s8, s5  }
0xa: {  	s7 =	ssub.s32 s6, s28;
	s29 =	sshrl.u32 s10, $0x2;
	s6 =	sor.u32 $0x1C02, s30  }
0xb: {  	s12 =	sadd.s32 s29, s1;
	s5 =	sadd.s32 $0x40800, s11;
	s16 =	sadd.s32 $0x68000, s8  }
0xc: {  	s7 =	smax.u32 s7, $0x1;
	s9 =	sadd.s32 s31, s9;
	s11 =	simm.s32 $0x2  }
0xd: {  	s8 =	sadd.s32 $0xF200, s9;
	s9 =	sadd.s32 $0x5400, s9;
	s10 =	sshrl.u32 s12, $0x3  }
0xe: {  	s12 =	simm.s32 $0x80;
	s15 =	sadd.s32 s15, s16;
	s16 =	simm.s32 $0x0  }
.LBB2_1:
0xf: {  	[spmem:s10], [sflag:s6] =	dma.local [hbm:s5], $0x2780  }
0x10: {  	_ =	swait.ge [sflag:s11], $0x2780  }
0x11: {  	[sflag:s11] =	ssyncset.done $0x0  }
0x12: {  	[sflag:s11] =	ssyncadd.s32 $0xFFFFD880  }
0x13: {  	s17 =	sadd.s32 $0x0, s9;
	[bflag:$0x0] =	sbarrier.arrive $0xFFFF  }
0x14: {  	[tilespmem:s2], [sflag:$0x2] =	stream.linear.gather [hbm4b:s17+s2], $0x80, $0x38;
	[tilespmem:$0x17D00] =	vst v63  }
0x15: {  	_ =	swait.ge [sflag:s11], $0x80  }
0x16: {  	[sflag:s11] =	ssyncset.done $0x0  }
0x17: {  	s31 =	sadd.s32 $0x0, s8;
	[sflag:s11] =	ssyncadd.s32 $0xFFFFFF80  }
0x18: {  	[tilespmem:s12], [sflag:$0x2] =	stream.linear.gather [hbm4b:s31+s2], $0x80, $0x38;
	[tilespmem:$0x17D00] =	vst v63  }
0x19: {  	_ =	swait.ge [sflag:s11], $0x80  }
0x1a: {  	[sflag:s11] =	ssyncset.done $0x0  }
0x1b: {  	[sflag:s11] =	ssyncadd.s32 $0xFFFFFF80  }
0x1c: {  	[tilespmem:s13], [sflag:$0x1] =	stream.indirect.gather [hbm4b:s4+s12], $0x80, s2, s12, $0xb8;
	[tilespmem:$0x17D00] =	vst v63  }
0x1d: {  	_ =	swait.ge [sflag:s14], $0x4000  }
0x1e: {  	[sflag:s14] =	ssyncset.done $0x0  }
0x1f: {  	[sflag:s14] =	ssyncadd.s32 $0xFFFFC000  }
0x20: {  	[spmem:s1] =	stream.indirect.scatter.add.f32 [tilespmem:s13], [sflag:$0x2], $0x80, s12, s12, $0xb8;
	[tilespmem:$0x17D00] =	vst v63  }
0x21: {  	_ =	swait.ge [sflag:s11], $0x4000  }
0x22: {  	s18 =	simm.s32 $0x20;
	s17 =	simm.s32 $0x10;
	[sflag:s11] =	ssyncset.done $0x0  }
.LBB2_2:
0x23: {  	s19 =	sadd.s32 s17, s9  }
0x24: {  	[sflag:s11] =	ssyncadd.s32 $0xFFFFC000;
	s20 =	smov.u32 s18;
	s21 =	sadd.s32 $0x10, s18  }
0x25: {  	[tilespmem:s2], [sflag:$0x2] =	stream.linear.gather [hbm4b:s19+s2], $0x80, $0x38;
	[tilespmem:$0x17D00] =	vst v63  }
0x26: {  	p0 =	sne.s32 s18, $0x4E0;
	_ =	swait.ge [sflag:s11], $0x80  }
0x27: {  	[sflag:s11] =	ssyncset.done $0x0  }
0x28: {  	s18 =	sadd.s32 s17, s8;
	s17 =	smov.u32 s20;
	[sflag:s11] =	ssyncadd.s32 $0xFFFFFF80  }
0x29: {  	[tilespmem:s12], [sflag:$0x2] =	stream.linear.gather [hbm4b:s18+s2], $0x80, $0x38;
	[tilespmem:$0x17D00] =	vst v63  }
0x2a: {  	_ =	swait.ge [sflag:s11], $0x80  }
0x2b: {  	[sflag:s11] =	ssyncset.done $0x0  }
0x2c: {  	[sflag:s11] =	ssyncadd.s32 $0xFFFFFF80  }
0x2d: {  	[tilespmem:s13], [sflag:$0x1] =	stream.indirect.gather [hbm4b:s4+s12], $0x80, s2, s12, $0xb8;
	[tilespmem:$0x17D00] =	vst v63  }
0x2e: {  	_ =	swait.ge [sflag:s14], $0x4000  }
.Ltmp0:
0x2f: {  	[sflag:s14] =	ssyncset.done $0x0;
	(pc) =	sbr.rel @p0 .LBB2_2-.Ltmp0, $4  }
0x30: {  	[sflag:s14] =	ssyncadd.s32 $0xFFFFC000  }
0x31: {  	[spmem:s1] =	stream.indirect.scatter.add.f32 [tilespmem:s13], [sflag:$0x2], $0x80, s12, s12, $0xb8;
	[tilespmem:$0x17D00] =	vst v63  }
0x32: {  	_ =	swait.ge [sflag:s11], $0x4000  }
0x33: {  	s18 =	smov.u32 s21;
	[sflag:s11] =	ssyncset.done $0x0  }
0x34: {  	s18 =	sadd.s32 s17, s9;
	[sflag:s11] =	ssyncadd.s32 $0xFFFFC000  }
0x35: {  	[tilespmem:s2], [sflag:$0x2] =	stream.linear.gather [hbm4b:s18+s2], $0x80, $0x38;
	[tilespmem:$0x17D00] =	vst v63  }
0x36: {  	_ =	swait.ge [sflag:s11], $0x80  }
0x37: {  	[sflag:s11] =	ssyncset.done $0x0  }
0x38: {  	s31 =	sadd.s32 s17, s8;
	[sflag:s11] =	ssyncadd.s32 $0xFFFFFF80  }
0x39: {  	[tilespmem:s12], [sflag:$0x2] =	stream.linear.gather [hbm4b:s31+s2], $0x80, $0x38;
	[tilespmem:$0x17D00] =	vst v63  }
0x3a: {  	_ =	swait.ge [sflag:s11], $0x80  }
0x3b: {  	[sflag:s11] =	ssyncset.done $0x0  }
0x3c: {  	[sflag:s11] =	ssyncadd.s32 $0xFFFFFF80  }
0x3d: {  	[tilespmem:s13], [sflag:$0x1] =	stream.indirect.gather [hbm4b:s4+s12], $0x80, s2, s12, $0xb8;
	[tilespmem:$0x17D00] =	vst v63  }
0x3e: {  	_ =	swait.ge [sflag:s14], $0x4000  }
0x3f: {  	[sflag:s14] =	ssyncset.done $0x0  }
0x40: {  	[sflag:s14] =	ssyncadd.s32 $0xFFFFC000  }
0x41: {  	[spmem:s1] =	stream.indirect.scatter.add.f32 [tilespmem:s13], [sflag:$0x2], $0x80, s12, s12, $0xb8;
	[tilespmem:$0x17D00] =	vst v63  }
0x42: {  	_ =	swait.ge [sflag:s11], $0x4000  }
0x43: {  	s16 =	sadd.s32 $0x1, s16;
	[sflag:s11] =	ssyncset.done $0x0  }
0x44: {  	p0 =	sne.s32 s16, s7;
	[sflag:s11] =	ssyncadd.s32 $0xFFFFC000  }
.Ltmp1:
0x45: {  	[bflag:$0x0] =	sbarrier.arrive $0xFFFF;
	(pc) =	sbr.rel @p0 .LBB2_1-.Ltmp1, $4  }
0x46: {  	[hbm:s15], [sflag:s6] =	dma.local [spmem:s10], $0x2780  }
0x47: {  	_ =	swait.ge [sflag:s11], $0x2780  }
0x48: {  	[sflag:s11] =	ssyncset.done $0x0  }
0x49: {  	[sflag:s11] =	ssyncadd.s32 $0xFFFFD880  }
0x4a: {  	_ =	sfence.sel $0x180000  }
0x4b: {  	[bflag:$0x0] =	sbarrier.arrive $0xFFFF  }
0x4c: {  	p0 =	sne.s32 s3, $0x0;
	_ =	strace $0x90000047  }
0x4d: {  	s0 =	sadd.s32 @!p0 $0x100000, s0;
	[bflag:$0x2] =	sbarrier.arrive $0xFFFF  }
0x4e: {  	[sflag:s0] =	ssyncadd.tile.s32 @!p0 $0x1;
	_ =	shalt  }
.Lfunc_end2:
_tile_overlayer_lowered:
.L_overlay_start_2:
0x4f: {  	(tag) =	ssettag $0x2  }
0x50: {  	s0 =	rddreg [dreg:$0x0];
	s2 =	stileid.u32  }
0x51: {  	s1 =	rddreg [dreg:$0x1];
	p0 =	sne.s32 s2, $0x0  }
0x52: {  	s3 =	rddreg [dreg:$0x2];
	[bflag:$0x3] =	sbarrier.arrive $0xFFFF;
	s2 =	simm.s32 @!p0 $0x1C02  }
0x53: {  	[timem:s3], [sflag:s2] =	dma.local @!p0 [hbm:s0], s1  }
0x54: {  	s0 =	simm.s32 @!p0 $0x2  }
0x55: {  	_ =	swait.ge @!p0 [sflag:s0], s1  }
0x56: {  	s1 =	ssub.s32 @!p0 $0x0, s1;
	[sflag:s0] =	ssyncset.done @!p0 $0x0  }
0x57: {  	[sflag:s0] =	ssyncadd.s32 @!p0 s1  }
0x58: {  	[bflag:$0x3] =	sbarrier.arrive $0xFFFF  }
0x59: {  	_ =	shalt  }

// kernel: kernel.13.cloned.1.call-start
scs
__scs_entry_jumppad:
0x0: {  	(pc) =	sbr.rel $0x88, $3  }
0x1: {  	(tag) =	ssettag $0x0;
	lr =	simm.s32 $0x1  }
0x2: {  	[smem:$0x3F85] =	sst lr;
	_ =	strace $0xD0000000  }
0x3: {  	_ = 	snop  }
0x4: {  	_ = 	snop  }
0x5: {  	_ = 	snop  }
0x6: {  	_ = 	snop  }
0x7: {  	_ = 	snop  }
__scs_overlays_trampoline_lowered:
0x8: {  	[smem:$0x3F94] =	sst s0  }
0x9: {  	[smem:$0x3F95] =	sst s1  }
0xa: {  	[smem:$0x3F96] =	sst s2  }
0xb: {  	[smem:$0x3F97] =	sst s3  }
0xc: {  	[smem:$0x3F98] =	sst s4  }
0xd: {  	[smem:$0x3F99] =	sst s5  }
0xe: {  	[smem:$0x3F9A] =	sst s6  }
0xf: {  	[smem:$0x3F9B] =	sst s7  }
0x10: {  	[smem:$0x3F9C] =	sst s8  }
0x11: {  	[smem:$0x3F9D] =	sst s9;
	s0 =	simm.s32 @!p0 $0x0  }
0x12: {  	s1 =	sld [smem:$0x3F83];
	s0 =	simm.s32 @p0 $0x1  }
0x13: {  	[smem:$0x3F9E] =	sst s0;
	s0 =	simm.s32 @!p1 $0x0  }
0x14: {  	s2 =	sld [smem:$0x3F82];
	s0 =	simm.s32 @p1 $0x1  }
0x15: {  	[smem:$0x3F9F] =	sst s0;
	s0 =	simm.s32 @!p2 $0x0  }
0x16: {  	s3 =	sld [smem:$0x3FDB];
	s0 =	simm.s32 @p2 $0x1  }
0x17: {  	s4 =	simm.s32 $0x1BF5;
	[smem:$0x3FA1] =	sst s0  }
0x18: {  	s0 =	sld [smem:$0x3F84];
	_ =	swait.ge [sflag:s4], $0x0  }
0x19: {  	s7 =	sld [smem:$0x3F85]  }
0x1a: {  	s8 =	sadd.s32 $0xFFFFE003, lr  }
0x1b: {  	s9 =	sadd.s32 $0xFFFFFEF7, lr;
	s5 =	simm.s32 $0xFFFFFFFF;
	p2 =	slt.u32 s8, $0xFFFFF086  }
0x1c: {  	p1 =	slt.u32 s9, $0xF7A;
	s5 =	simm.s32 @!p2 $0x0  }
0x1d: {  	s5 =	simm.s32 @p1 $0x1;
	p0 =	seq.s32 s7, s2  }
0x1e: {  	s7 =	smul.u32 @!p0 $0xF7A, s2;
	p2 =	seq.s32 @!p0 s5, $0x0  }
0x1f: {  	s9 =	smul.u32 $0xF7A, s1;
	s8 =	simm.s32 @!p0 $0x1BF5;
	p2 =	por !p2, p0  }
0x20: {  	[sflag:s8] =	ssyncset.s32 @!p0 $0xFFFFF086;
	s6 =	sadd.s32 @!p0 s3, s7;
	s7 =	simm.s32 @!p0 $0x108  }
0x21: {  	s3 =	sadd.s32 s3, s9;
	s6 =	sadd.s32 @!p0 $0x88, s6;
	s7 =	simm.s32 @p2 $0x1082  }
0x22: {  	[simem:s7], [sflag:s8] =	dma.local @!p0 [hbm:s6], $0xF7A  }
0x23: {  	s9 =	sor.u32 $0xD0000000, s2;
	s6 =	simm.s32 $0x108;
	_ =	swait.ge @!p0 [sflag:s8], $0x0  }
0x24: {  	s3 =	sadd.s32 $0x88, s3;
	s6 =	simm.s32 @!p1 $0x1082;
	[sflag:s4] =	ssyncset.s32 $0xFFFFF086  }
0x25: {  	[simem:s6], [sflag:s4] =	dma.local [hbm:s3], $0xF7A  }
0x26: {  	[smem:$0x3F85] =	sst s1;
	(tag) =	ssettag s2;
	_ =	strace s9  }
0x27: {  	s1 =	sld [smem:$0x3F95]  }
0x28: {  	s2 =	sld [smem:$0x3F96]  }
0x29: {  	s4 =	sld [smem:$0x3F98]  }
0x2a: {  	p0 =	seq.s32 s5, $0x0;
	s5 =	sld [smem:$0x3F99]  }
0x2b: {  	s6 =	sld [smem:$0x3F9A]  }
0x2c: {  	s7 =	sld [smem:$0x3F9B]  }
0x2d: {  	s3 =	simm.s32 $0x108;
	s8 =	sld [smem:$0x3F9C]  }
0x2e: {  	s3 =	simm.s32 @!p0 $0x1082;
	s9 =	sld [smem:$0x3F9D]  }
0x2f: {  	lr =	sadd.s32 s0, s3;
	s0 =	sld [smem:$0x3F94]  }
0x30: {  	s3 =	sld [smem:$0x3F97]  }
0x31: {  	[smem:$0x3FA0] =	sst s10  }
0x32: {  	s10 =	sld [smem:$0x3F9E];
	_ =	sdelay $0x3  }
0x33: {  	p0 =	seq.s32 s10, $0x1;
	s10 =	sld [smem:$0x3FA0];
	_ =	sdelay $0x3  }
0x34: {  	[smem:$0x3FA0] =	sst s10  }
0x35: {  	s10 =	sld [smem:$0x3F9F];
	_ =	sdelay $0x3  }
0x36: {  	p1 =	seq.s32 s10, $0x1;
	s10 =	sld [smem:$0x3FA0];
	_ =	sdelay $0x3  }
0x37: {  	[smem:$0x3FA0] =	sst s10  }
0x38: {  	s10 =	sld [smem:$0x3FA1]  }
0x39: {  	_ = 	snop;
	(pc) =	sbr.ind lr, $3  }
0x3a: {  	_ = 	snop  }
0x3b: {  	_ = 	snop  }
0x3c: {  	p2 =	seq.s32 s10, $0x1;
	s10 =	sld [smem:$0x3FA0]  }
0x3d: {  	_ =	shalt  }
0x3e: {  	_ =	shalt  }
0x3f: {  	_ =	shalt  }
0x40: {  	_ =	shalt  }
0x41: {  	_ =	shalt  }
0x42: {  	_ =	shalt  }
0x43: {  	_ =	shalt  }
0x44: {  	_ =	shalt  }
0x45: {  	_ =	shalt  }
0x46: {  	_ =	shalt  }
0x47: {  	_ =	shalt  }
0x48: {  	_ =	shalt  }
0x49: {  	_ =	shalt  }
0x4a: {  	_ =	shalt  }
0x4b: {  	_ =	shalt  }
0x4c: {  	_ =	shalt  }
0x4d: {  	_ =	shalt  }
0x4e: {  	_ =	shalt  }
0x4f: {  	_ =	shalt  }
0x50: {  	_ =	shalt  }
0x51: {  	_ =	shalt  }
0x52: {  	_ =	shalt  }
0x53: {  	_ =	shalt  }
0x54: {  	_ =	shalt  }
0x55: {  	_ =	shalt  }
0x56: {  	_ =	shalt  }
0x57: {  	_ =	shalt  }
0x58: {  	_ =	shalt  }
0x59: {  	_ =	shalt  }
0x5a: {  	_ =	shalt  }
0x5b: {  	_ =	shalt  }
0x5c: {  	_ =	shalt  }
0x5d: {  	_ =	shalt  }
0x5e: {  	_ =	shalt  }
0x5f: {  	_ =	shalt  }
0x60: {  	_ =	shalt  }
0x61: {  	_ =	shalt  }
0x62: {  	_ =	shalt  }
0x63: {  	_ =	shalt  }
0x64: {  	_ =	shalt  }
0x65: {  	_ =	shalt  }
0x66: {  	_ =	shalt  }
0x67: {  	_ =	shalt  }
0x68: {  	_ =	shalt  }
0x69: {  	_ =	shalt  }
0x6a: {  	_ =	shalt  }
0x6b: {  	_ =	shalt  }
0x6c: {  	_ =	shalt  }
0x6d: {  	_ =	shalt  }
0x6e: {  	_ =	shalt  }
0x6f: {  	_ =	shalt  }
0x70: {  	_ =	shalt  }
0x71: {  	_ =	shalt  }
0x72: {  	_ =	shalt  }
0x73: {  	_ =	shalt  }
0x74: {  	_ =	shalt  }
0x75: {  	_ =	shalt  }
0x76: {  	_ =	shalt  }
0x77: {  	_ =	shalt  }
0x78: {  	_ =	shalt  }
0x79: {  	_ =	shalt  }
0x7a: {  	_ =	shalt  }
0x7b: {  	_ =	shalt  }
0x7c: {  	_ =	shalt  }
0x7d: {  	_ =	shalt  }
0x7e: {  	_ =	shalt  }
0x7f: {  	_ =	shalt  }
0x80: {  	_ =	shalt  }
0x81: {  	_ =	shalt  }
0x82: {  	_ =	shalt  }
0x83: {  	_ =	shalt  }
0x84: {  	_ =	shalt  }
0x85: {  	_ =	shalt  }
0x86: {  	_ =	shalt  }
0x87: {  	_ =	shalt  }
.Lfunc_end0:
.L_simem_size_0:
called_computation.1_lowered:
.L_overlay_start_0:
0x88: {  	s2 =	sld [smem:$0x3FD9]  }
0x89: {  	s3 =	sld [smem:$0x3FFE];
	_ =	sdelay $0x1  }
0x8a: {  	s1 =	srdreg.scid  }
0x8b: {  	s0 =	sand.u32 $0x1, s1  }
0x8c: {  	s16 =	sshll.u32 s0, $0xA;
	s2 =	sadd.s32 s3, s2  }
0x8d: {  	s2 =	sadd.s32 s2, s16  }
0x8e: {  	[smem:$0x3FAC] =	sst s2  }
0x8f: {  	_ = 	snop  }
0x90: {  	(tm) =	ssettm $0x1  }
0x91: {  	s17 =	sld [smem:$0x3FFB];
	_ =	sdelay $0x3  }
0x92: {  	_ =	strace s17  }
0x93: {  	s2 =	sld [smem:$0x3FFC];
	_ =	sdelay $0x3  }
0x94: {  	_ =	strace s2  }
0x95: {  	s2 =	sld [smem:$0x3FFD];
	_ =	sdelay $0x3  }
0x96: {  	_ =	strace s2  }
0x97: {  	_ =	strace $0x8FFFFFFF  }
0x98: {  	s18 =	sld [smem:$0x3FDB];
	_ =	sdelay $0x1  }
0x99: {  	s19 =	simm.s32 $_scs_section_size  }
0x9a: {  	s4 =	simm.s32 $_size__tile_overlayer_lowered;
	s5 =	simm.s32 $_tile_overlayer_lowered  }
0x9b: {  	s22 =	simm.s32 $0x1BFF;
	s21 =	sshll.u32 s5, $0x1;
	s2 =	sadd.s32 s19, s18  }
0x9c: {  	s6 =	simm.s32 $0x0;
	s20 =	sshll.u32 s4, $0x1;
	s4 =	sadd.s32 s21, s2  }
0x9d: {  	[timem:s6], [sflag:s22] =	dma.local [hbm:s4], s20  }
0x9e: {  	_ =	swait.ge [sflag:s22], s20  }
0x9f: {  	s3 =	ssub.s32 $0x0, s20;
	[sflag:s22] =	ssyncset.done $0x0  }
0xa0: {  	[sflag:s22] =	ssyncadd.s32 s3;
	_ =	sdelay $0x1  }
0xa1: {  	s23 =	simm.s32 $0x1B8B  }
0xa2: {  	_ =	swait.ge [sflag:s23], $0x1  }
0xa3: {  	[sflag:s23] =	ssyncset.done $0x0  }
0xa4: {  	s25 =	simm.s32 $0x1B8E;
	s24 =	sld [smem:$0x3FFE];
	[sflag:s23] =	ssyncadd.s32 $0xFFFFFFFF  }
0xa5: {  	s26 =	simm.s32 $execute0_lowered;
	[smem:$0x3FD2] =	sst s25  }
0xa6: {  	s4 =	sshll.u32 s26, $0x1;
	_ =	strace $0x80000049;
	[dreg:$0x1] =	wrdreg $0xFFFFFFFF  }
0xa7: {  	s28 =	simm.s32 $_size_execute0_lowered;
	s2 =	sadd.s32 s2, s4;
	[dreg:$0x0] =	wrdreg $0x0  }
0xa8: {  	s4 =	sshll.u32 s28, $0x1;
	[dreg:$0x2] =	wrdreg s2  }
0xa9: {  	[dreg:$0x3] =	wrdreg s4  }
0xaa: {  	[dreg:$0x4] =	wrdreg $0xC0  }
0xab: {  	_ =	task [dreg:s6], $0x5FFFF  }
0xac: {  	[dreg:$0x1] =	wrdreg $0xFFFFFFFF  }
0xad: {  	[dreg:$0x0] =	wrdreg $0x60  }
0xae: {  	[dreg:$0x2] =	wrdreg s24  }
0xaf: {  	[dreg:$0x3] =	wrdreg $0x41000  }
0xb0: {  	[dreg:$0x4] =	wrdreg $0x9  }
0xb1: {  	_ =	task.clear_ibuf [dreg:s6], $0x5FFFF;
	_ =	strace $0x90000049  }
0xb2: {  	s29 =	simm.s32 $0x9;
	_ =	strace $0x8000004B  }
0xb3: {  	_ =	swait.ge [sflag:s29], $0x1  }
0xb4: {  	[sflag:s29] =	ssyncadd.s32 $0xFFFFFFFF  }
0xb5: {  	_ =	strace $0x9000004B  }
0xb6: {  	_ =	sfence  }
0xb7: {  	s30 =	sld [smem:$0x0];
	_ =	sdelay $0x2  }
0xb8: {  	s31 =	sshll.u32 s1, $0xD;
	s1 =	sshrl.u32 s1, $0x2  }
0xb9: {  	s3 =	sand.u32 $0x4000, s31;
	s1 =	sadd.s32 s1, s30  }
0xba: {  	s0 =	sor.u32 s3, s0;
	s1 =	sshll.u32 s1, $0x11  }
0xbb: {  	s0 =	sor.u32 s1, s0  }
0xbc: {  	s0 =	sadd.s32 $0x8F2B, s0  }
0xbd: {  	[sflag:s0] =	ssyncadd.remote.s32 $0x1  }
0xbe: {  	_ =	sfence.sel $0xFFFF  }
0xbf: {  	[dreg:$0x0] =	wrdreg $0xFFFFFFFF;
	(pc) =	sbr.abs _section_cstart, $3  }
0xc0: {  	[dreg:$0x1] =	wrdreg $0xFFFFFFFF  }
0xc1: {  	_ =	task.clear_ibuf [dreg:s6], $0x2FFFF;
	_ =	strace $0x9FFFFFFF  }
0xc2: {  	(tm) =	ssettm $0x7FFFFFFF  }
0xc3: {  	_ =	shalt  }
tec
execute0_lowered:
.L_overlay_start_1:
0x0: {  	(tag) =	ssettag $0x1  }
0x1: {  	s5 =	rddreg [dreg:$0x0]  }
0x2: {  	s1 =	rddreg [dreg:$0x1];
	s3 =	srdreg.scid  }
0x3: {  	s0 =	rddreg [dreg:$0x2];
	s6 =	sand.u32 $0x1, s3  }
0x4: {  	s2 =	simm.s32 $0x0;
	s3 =	stileid.u32;
	s7 =	smul.u32 $0x4F00, s6  }
0x5: {  	s13 =	simm.s32 $0x100;
	s14 =	simm.s32 $0x1;
	s15 =	smul.u32 $0x2780, s3  }
0x6: {  	[smem:$0x7FF] =	sst s2;
	s4 =	sadd.s32 $0x19000, s5;
	s8 =	smul.u32 $0x27800, s6  }
0x7: {  	_ =	strace $0x8000004A;
	s6 =	ssub.s32 $0x2, s6;
	s10 =	smul.u32 $0x4F000, s3  }
0x8: {  	s30 =	sshll.u32 s3, $0x6;
	s31 =	smul.u32 $0x4F0, s3;
	s28 =	sshrl.u32 s6, $0x1  }
0x9: {  	s9 =	sadd.s32 s7, s5;
	s11 =	sadd.s32 s15, s5;
	s8 =	sadd.s32 s8, s5  }
0xa: {  	s7 =	ssub.s32 s6, s28;
	s29 =	sshrl.u32 s10, $0x2;
	s6 =	sor.u32 $0x1C02, s30  }
0xb: {  	s12 =	sadd.s32 s29, s1;
	s5 =	sadd.s32 $0x40800, s11;
	s16 =	sadd.s32 $0x68000, s8  }
0xc: {  	s7 =	smax.u32 s7, $0x1;
	s9 =	sadd.s32 s31, s9;
	s11 =	simm.s32 $0x2  }
0xd: {  	s8 =	sadd.s32 $0xF200, s9;
	s9 =	sadd.s32 $0x5400, s9;
	s10 =	sshrl.u32 s12, $0x3  }
0xe: {  	s12 =	simm.s32 $0x80;
	s15 =	sadd.s32 s15, s16;
	s16 =	simm.s32 $0x0  }
.LBB2_1:
0xf: {  	[spmem:s10], [sflag:s6] =	dma.local [hbm:s5], $0x2780  }
0x10: {  	_ =	swait.ge [sflag:s11], $0x2780  }
0x11: {  	[sflag:s11] =	ssyncset.done $0x0  }
0x12: {  	[sflag:s11] =	ssyncadd.s32 $0xFFFFD880  }
0x13: {  	s17 =	sadd.s32 $0x0, s9;
	[bflag:$0x0] =	sbarrier.arrive $0xFFFF  }
0x14: {  	[tilespmem:s2], [sflag:$0x2] =	stream.linear.gather [hbm4b:s17+s2], $0x80, $0x38;
	[tilespmem:$0x17D00] =	vst v63  }
0x15: {  	_ =	swait.ge [sflag:s11], $0x80  }
0x16: {  	[sflag:s11] =	ssyncset.done $0x0  }
0x17: {  	s31 =	sadd.s32 $0x0, s8;
	[sflag:s11] =	ssyncadd.s32 $0xFFFFFF80  }
0x18: {  	[tilespmem:s12], [sflag:$0x2] =	stream.linear.gather [hbm4b:s31+s2], $0x80, $0x38;
	[tilespmem:$0x17D00] =	vst v63  }
0x19: {  	_ =	swait.ge [sflag:s11], $0x80  }
0x1a: {  	[sflag:s11] =	ssyncset.done $0x0  }
0x1b: {  	[sflag:s11] =	ssyncadd.s32 $0xFFFFFF80  }
0x1c: {  	[tilespmem:s13], [sflag:$0x1] =	stream.indirect.gather [hbm4b:s4+s12], $0x80, s2, s12, $0xb8;
	[tilespmem:$0x17D00] =	vst v63  }
0x1d: {  	_ =	swait.ge [sflag:s14], $0x4000  }
0x1e: {  	[sflag:s14] =	ssyncset.done $0x0  }
0x1f: {  	[sflag:s14] =	ssyncadd.s32 $0xFFFFC000  }
0x20: {  	[spmem:s1] =	stream.indirect.scatter.add.f32 [tilespmem:s13], [sflag:$0x2], $0x80, s12, s12, $0xb8;
	[tilespmem:$0x17D00] =	vst v63  }
0x21: {  	_ =	swait.ge [sflag:s11], $0x4000  }
0x22: {  	s18 =	simm.s32 $0x20;
	s17 =	simm.s32 $0x10;
	[sflag:s11] =	ssyncset.done $0x0  }
.LBB2_2:
0x23: {  	s19 =	sadd.s32 s17, s9  }
0x24: {  	[sflag:s11] =	ssyncadd.s32 $0xFFFFC000;
	s20 =	smov.u32 s18;
	s21 =	sadd.s32 $0x10, s18  }
0x25: {  	[tilespmem:s2], [sflag:$0x2] =	stream.linear.gather [hbm4b:s19+s2], $0x80, $0x38;
	[tilespmem:$0x17D00] =	vst v63  }
0x26: {  	p0 =	sne.s32 s18, $0x4E0;
	_ =	swait.ge [sflag:s11], $0x80  }
0x27: {  	[sflag:s11] =	ssyncset.done $0x0  }
0x28: {  	s18 =	sadd.s32 s17, s8;
	s17 =	smov.u32 s20;
	[sflag:s11] =	ssyncadd.s32 $0xFFFFFF80  }
0x29: {  	[tilespmem:s12], [sflag:$0x2] =	stream.linear.gather [hbm4b:s18+s2], $0x80, $0x38;
	[tilespmem:$0x17D00] =	vst v63  }
0x2a: {  	_ =	swait.ge [sflag:s11], $0x80  }
0x2b: {  	[sflag:s11] =	ssyncset.done $0x0  }
0x2c: {  	[sflag:s11] =	ssyncadd.s32 $0xFFFFFF80  }
0x2d: {  	[tilespmem:s13], [sflag:$0x1] =	stream.indirect.gather [hbm4b:s4+s12], $0x80, s2, s12, $0xb8;
	[tilespmem:$0x17D00] =	vst v63  }
0x2e: {  	_ =	swait.ge [sflag:s14], $0x4000  }
.Ltmp0:
0x2f: {  	[sflag:s14] =	ssyncset.done $0x0;
	(pc) =	sbr.rel @p0 .LBB2_2-.Ltmp0, $4  }
0x30: {  	[sflag:s14] =	ssyncadd.s32 $0xFFFFC000  }
0x31: {  	[spmem:s1] =	stream.indirect.scatter.add.f32 [tilespmem:s13], [sflag:$0x2], $0x80, s12, s12, $0xb8;
	[tilespmem:$0x17D00] =	vst v63  }
0x32: {  	_ =	swait.ge [sflag:s11], $0x4000  }
0x33: {  	s18 =	smov.u32 s21;
	[sflag:s11] =	ssyncset.done $0x0  }
0x34: {  	s18 =	sadd.s32 s17, s9;
	[sflag:s11] =	ssyncadd.s32 $0xFFFFC000  }
0x35: {  	[tilespmem:s2], [sflag:$0x2] =	stream.linear.gather [hbm4b:s18+s2], $0x80, $0x38;
	[tilespmem:$0x17D00] =	vst v63  }
0x36: {  	_ =	swait.ge [sflag:s11], $0x80  }
0x37: {  	[sflag:s11] =	ssyncset.done $0x0  }
0x38: {  	s31 =	sadd.s32 s17, s8;
	[sflag:s11] =	ssyncadd.s32 $0xFFFFFF80  }
0x39: {  	[tilespmem:s12], [sflag:$0x2] =	stream.linear.gather [hbm4b:s31+s2], $0x80, $0x38;
	[tilespmem:$0x17D00] =	vst v63  }
0x3a: {  	_ =	swait.ge [sflag:s11], $0x80  }
0x3b: {  	[sflag:s11] =	ssyncset.done $0x0  }
0x3c: {  	[sflag:s11] =	ssyncadd.s32 $0xFFFFFF80  }
0x3d: {  	[tilespmem:s13], [sflag:$0x1] =	stream.indirect.gather [hbm4b:s4+s12], $0x80, s2, s12, $0xb8;
	[tilespmem:$0x17D00] =	vst v63  }
0x3e: {  	_ =	swait.ge [sflag:s14], $0x4000  }
0x3f: {  	[sflag:s14] =	ssyncset.done $0x0  }
0x40: {  	[sflag:s14] =	ssyncadd.s32 $0xFFFFC000  }
0x41: {  	[spmem:s1] =	stream.indirect.scatter.add.f32 [tilespmem:s13], [sflag:$0x2], $0x80, s12, s12, $0xb8;
	[tilespmem:$0x17D00] =	vst v63  }
0x42: {  	_ =	swait.ge [sflag:s11], $0x4000  }
0x43: {  	s16 =	sadd.s32 $0x1, s16;
	[sflag:s11] =	ssyncset.done $0x0  }
0x44: {  	p0 =	sne.s32 s16, s7;
	[sflag:s11] =	ssyncadd.s32 $0xFFFFC000  }
.Ltmp1:
0x45: {  	[bflag:$0x0] =	sbarrier.arrive $0xFFFF;
	(pc) =	sbr.rel @p0 .LBB2_1-.Ltmp1, $4  }
0x46: {  	[hbm:s15], [sflag:s6] =	dma.local [spmem:s10], $0x2780  }
0x47: {  	_ =	swait.ge [sflag:s11], $0x2780  }
0x48: {  	[sflag:s11] =	ssyncset.done $0x0  }
0x49: {  	[sflag:s11] =	ssyncadd.s32 $0xFFFFD880  }
0x4a: {  	_ =	sfence.sel $0x180000  }
0x4b: {  	[bflag:$0x0] =	sbarrier.arrive $0xFFFF  }
0x4c: {  	p0 =	sne.s32 s3, $0x0;
	_ =	strace $0x9000004A  }
0x4d: {  	s0 =	sadd.s32 @!p0 $0x100000, s0;
	[bflag:$0x2] =	sbarrier.arrive $0xFFFF  }
0x4e: {  	[sflag:s0] =	ssyncadd.tile.s32 @!p0 $0x1;
	_ =	shalt  }
.Lfunc_end2:
_tile_overlayer_lowered:
.L_overlay_start_2:
0x4f: {  	(tag) =	ssettag $0x2  }
0x50: {  	s0 =	rddreg [dreg:$0x0];
	s2 =	stileid.u32  }
0x51: {  	s1 =	rddreg [dreg:$0x1];
	p0 =	sne.s32 s2, $0x0  }
0x52: {  	s3 =	rddreg [dreg:$0x2];
	[bflag:$0x3] =	sbarrier.arrive $0xFFFF;
	s2 =	simm.s32 @!p0 $0x1C02  }
0x53: {  	[timem:s3], [sflag:s2] =	dma.local @!p0 [hbm:s0], s1  }
0x54: {  	s0 =	simm.s32 @!p0 $0x2  }
0x55: {  	_ =	swait.ge @!p0 [sflag:s0], s1  }
0x56: {  	s1 =	ssub.s32 @!p0 $0x0, s1;
	[sflag:s0] =	ssyncset.done @!p0 $0x0  }
0x57: {  	[sflag:s0] =	ssyncadd.s32 @!p0 s1  }
0x58: {  	[bflag:$0x3] =	sbarrier.arrive $0xFFFF  }
0x59: {  	_ =	shalt  }

// kernel: kernel.16.cloned.1.call-start
scs
__scs_entry_jumppad:
0x0: {  	(pc) =	sbr.rel $0x88, $3  }
0x1: {  	(tag) =	ssettag $0x0;
	lr =	simm.s32 $0x1  }
0x2: {  	[smem:$0x3F85] =	sst lr;
	_ =	strace $0xD0000000  }
0x3: {  	_ = 	snop  }
0x4: {  	_ = 	snop  }
0x5: {  	_ = 	snop  }
0x6: {  	_ = 	snop  }
0x7: {  	_ = 	snop  }
__scs_overlays_trampoline_lowered:
0x8: {  	[smem:$0x3F94] =	sst s0  }
0x9: {  	[smem:$0x3F95] =	sst s1  }
0xa: {  	[smem:$0x3F96] =	sst s2  }
0xb: {  	[smem:$0x3F97] =	sst s3  }
0xc: {  	[smem:$0x3F98] =	sst s4  }
0xd: {  	[smem:$0x3F99] =	sst s5  }
0xe: {  	[smem:$0x3F9A] =	sst s6  }
0xf: {  	[smem:$0x3F9B] =	sst s7  }
0x10: {  	[smem:$0x3F9C] =	sst s8  }
0x11: {  	[smem:$0x3F9D] =	sst s9;
	s0 =	simm.s32 @!p0 $0x0  }
0x12: {  	s1 =	sld [smem:$0x3F83];
	s0 =	simm.s32 @p0 $0x1  }
0x13: {  	[smem:$0x3F9E] =	sst s0;
	s0 =	simm.s32 @!p1 $0x0  }
0x14: {  	s2 =	sld [smem:$0x3F82];
	s0 =	simm.s32 @p1 $0x1  }
0x15: {  	[smem:$0x3F9F] =	sst s0;
	s0 =	simm.s32 @!p2 $0x0  }
0x16: {  	s3 =	sld [smem:$0x3FDB];
	s0 =	simm.s32 @p2 $0x1  }
0x17: {  	s4 =	simm.s32 $0x1BF5;
	[smem:$0x3FA1] =	sst s0  }
0x18: {  	s0 =	sld [smem:$0x3F84];
	_ =	swait.ge [sflag:s4], $0x0  }
0x19: {  	s7 =	sld [smem:$0x3F85]  }
0x1a: {  	s8 =	sadd.s32 $0xFFFFE003, lr  }
0x1b: {  	s9 =	sadd.s32 $0xFFFFFEF7, lr;
	s5 =	simm.s32 $0xFFFFFFFF;
	p2 =	slt.u32 s8, $0xFFFFF086  }
0x1c: {  	p1 =	slt.u32 s9, $0xF7A;
	s5 =	simm.s32 @!p2 $0x0  }
0x1d: {  	s5 =	simm.s32 @p1 $0x1;
	p0 =	seq.s32 s7, s2  }
0x1e: {  	s7 =	smul.u32 @!p0 $0xF7A, s2;
	p2 =	seq.s32 @!p0 s5, $0x0  }
0x1f: {  	s9 =	smul.u32 $0xF7A, s1;
	s8 =	simm.s32 @!p0 $0x1BF5;
	p2 =	por !p2, p0  }
0x20: {  	[sflag:s8] =	ssyncset.s32 @!p0 $0xFFFFF086;
	s6 =	sadd.s32 @!p0 s3, s7;
	s7 =	simm.s32 @!p0 $0x108  }
0x21: {  	s3 =	sadd.s32 s3, s9;
	s6 =	sadd.s32 @!p0 $0x88, s6;
	s7 =	simm.s32 @p2 $0x1082  }
0x22: {  	[simem:s7], [sflag:s8] =	dma.local @!p0 [hbm:s6], $0xF7A  }
0x23: {  	s9 =	sor.u32 $0xD0000000, s2;
	s6 =	simm.s32 $0x108;
	_ =	swait.ge @!p0 [sflag:s8], $0x0  }
0x24: {  	s3 =	sadd.s32 $0x88, s3;
	s6 =	simm.s32 @!p1 $0x1082;
	[sflag:s4] =	ssyncset.s32 $0xFFFFF086  }
0x25: {  	[simem:s6], [sflag:s4] =	dma.local [hbm:s3], $0xF7A  }
0x26: {  	[smem:$0x3F85] =	sst s1;
	(tag) =	ssettag s2;
	_ =	strace s9  }
0x27: {  	s1 =	sld [smem:$0x3F95]  }
0x28: {  	s2 =	sld [smem:$0x3F96]  }
0x29: {  	s4 =	sld [smem:$0x3F98]  }
0x2a: {  	p0 =	seq.s32 s5, $0x0;
	s5 =	sld [smem:$0x3F99]  }
0x2b: {  	s6 =	sld [smem:$0x3F9A]  }
0x2c: {  	s7 =	sld [smem:$0x3F9B]  }
0x2d: {  	s3 =	simm.s32 $0x108;
	s8 =	sld [smem:$0x3F9C]  }
0x2e: {  	s3 =	simm.s32 @!p0 $0x1082;
	s9 =	sld [smem:$0x3F9D]  }
0x2f: {  	lr =	sadd.s32 s0, s3;
	s0 =	sld [smem:$0x3F94]  }
0x30: {  	s3 =	sld [smem:$0x3F97]  }
0x31: {  	[smem:$0x3FA0] =	sst s10  }
0x32: {  	s10 =	sld [smem:$0x3F9E];
	_ =	sdelay $0x3  }
0x33: {  	p0 =	seq.s32 s10, $0x1;
	s10 =	sld [smem:$0x3FA0];
	_ =	sdelay $0x3  }
0x34: {  	[smem:$0x3FA0] =	sst s10  }
0x35: {  	s10 =	sld [smem:$0x3F9F];
	_ =	sdelay $0x3  }
0x36: {  	p1 =	seq.s32 s10, $0x1;
	s10 =	sld [smem:$0x3FA0];
	_ =	sdelay $0x3  }
0x37: {  	[smem:$0x3FA0] =	sst s10  }
0x38: {  	s10 =	sld [smem:$0x3FA1]  }
0x39: {  	_ = 	snop;
	(pc) =	sbr.ind lr, $3  }
0x3a: {  	_ = 	snop  }
0x3b: {  	_ = 	snop  }
0x3c: {  	p2 =	seq.s32 s10, $0x1;
	s10 =	sld [smem:$0x3FA0]  }
0x3d: {  	_ =	shalt  }
0x3e: {  	_ =	shalt  }
0x3f: {  	_ =	shalt  }
0x40: {  	_ =	shalt  }
0x41: {  	_ =	shalt  }
0x42: {  	_ =	shalt  }
0x43: {  	_ =	shalt  }
0x44: {  	_ =	shalt  }
0x45: {  	_ =	shalt  }
0x46: {  	_ =	shalt  }
0x47: {  	_ =	shalt  }
0x48: {  	_ =	shalt  }
0x49: {  	_ =	shalt  }
0x4a: {  	_ =	shalt  }
0x4b: {  	_ =	shalt  }
0x4c: {  	_ =	shalt  }
0x4d: {  	_ =	shalt  }
0x4e: {  	_ =	shalt  }
0x4f: {  	_ =	shalt  }
0x50: {  	_ =	shalt  }
0x51: {  	_ =	shalt  }
0x52: {  	_ =	shalt  }
0x53: {  	_ =	shalt  }
0x54: {  	_ =	shalt  }
0x55: {  	_ =	shalt  }
0x56: {  	_ =	shalt  }
0x57: {  	_ =	shalt  }
0x58: {  	_ =	shalt  }
0x59: {  	_ =	shalt  }
0x5a: {  	_ =	shalt  }
0x5b: {  	_ =	shalt  }
0x5c: {  	_ =	shalt  }
0x5d: {  	_ =	shalt  }
0x5e: {  	_ =	shalt  }
0x5f: {  	_ =	shalt  }
0x60: {  	_ =	shalt  }
0x61: {  	_ =	shalt  }
0x62: {  	_ =	shalt  }
0x63: {  	_ =	shalt  }
0x64: {  	_ =	shalt  }
0x65: {  	_ =	shalt  }
0x66: {  	_ =	shalt  }
0x67: {  	_ =	shalt  }
0x68: {  	_ =	shalt  }
0x69: {  	_ =	shalt  }
0x6a: {  	_ =	shalt  }
0x6b: {  	_ =	shalt  }
0x6c: {  	_ =	shalt  }
0x6d: {  	_ =	shalt  }
0x6e: {  	_ =	shalt  }
0x6f: {  	_ =	shalt  }
0x70: {  	_ =	shalt  }
0x71: {  	_ =	shalt  }
0x72: {  	_ =	shalt  }
0x73: {  	_ =	shalt  }
0x74: {  	_ =	shalt  }
0x75: {  	_ =	shalt  }
0x76: {  	_ =	shalt  }
0x77: {  	_ =	shalt  }
0x78: {  	_ =	shalt  }
0x79: {  	_ =	shalt  }
0x7a: {  	_ =	shalt  }
0x7b: {  	_ =	shalt  }
0x7c: {  	_ =	shalt  }
0x7d: {  	_ =	shalt  }
0x7e: {  	_ =	shalt  }
0x7f: {  	_ =	shalt  }
0x80: {  	_ =	shalt  }
0x81: {  	_ =	shalt  }
0x82: {  	_ =	shalt  }
0x83: {  	_ =	shalt  }
0x84: {  	_ =	shalt  }
0x85: {  	_ =	shalt  }
0x86: {  	_ =	shalt  }
0x87: {  	_ =	shalt  }
.Lfunc_end0:
.L_simem_size_0:
called_computation.2_lowered:
.L_overlay_start_0:
0x88: {  	s2 =	sld [smem:$0x3FD9]  }
0x89: {  	s3 =	sld [smem:$0x3FFE];
	_ =	sdelay $0x1  }
0x8a: {  	s1 =	srdreg.scid  }
0x8b: {  	s0 =	sand.u32 $0x1, s1  }
0x8c: {  	s16 =	sshll.u32 s0, $0xA;
	s2 =	sadd.s32 s3, s2  }
0x8d: {  	s2 =	sadd.s32 s2, s16  }
0x8e: {  	[smem:$0x3FAC] =	sst s2  }
0x8f: {  	_ = 	snop  }
0x90: {  	(tm) =	ssettm $0x1  }
0x91: {  	s17 =	sld [smem:$0x3FFB];
	_ =	sdelay $0x3  }
0x92: {  	_ =	strace s17  }
0x93: {  	s2 =	sld [smem:$0x3FFC];
	_ =	sdelay $0x3  }
0x94: {  	_ =	strace s2  }
0x95: {  	s2 =	sld [smem:$0x3FFD];
	_ =	sdelay $0x3  }
0x96: {  	_ =	strace s2  }
0x97: {  	_ =	strace $0x8FFFFFFF  }
0x98: {  	s18 =	sld [smem:$0x3FDB];
	_ =	sdelay $0x1  }
0x99: {  	s19 =	simm.s32 $_scs_section_size  }
0x9a: {  	s4 =	simm.s32 $_size__tile_overlayer_lowered;
	s5 =	simm.s32 $_tile_overlayer_lowered  }
0x9b: {  	s22 =	simm.s32 $0x1BFF;
	s21 =	sshll.u32 s5, $0x1;
	s2 =	sadd.s32 s19, s18  }
0x9c: {  	s6 =	simm.s32 $0x0;
	s20 =	sshll.u32 s4, $0x1;
	s4 =	sadd.s32 s21, s2  }
0x9d: {  	[timem:s6], [sflag:s22] =	dma.local [hbm:s4], s20  }
0x9e: {  	_ =	swait.ge [sflag:s22], s20  }
0x9f: {  	s3 =	ssub.s32 $0x0, s20;
	[sflag:s22] =	ssyncset.done $0x0  }
0xa0: {  	[sflag:s22] =	ssyncadd.s32 s3;
	_ =	sdelay $0x1  }
0xa1: {  	s23 =	simm.s32 $0x1B8B  }
0xa2: {  	_ =	swait.ge [sflag:s23], $0x1  }
0xa3: {  	[sflag:s23] =	ssyncset.done $0x0  }
0xa4: {  	s25 =	simm.s32 $0x1B8E;
	s24 =	sld [smem:$0x3FFE];
	[sflag:s23] =	ssyncadd.s32 $0xFFFFFFFF  }
0xa5: {  	s26 =	simm.s32 $execute0_lowered;
	[smem:$0x3FD2] =	sst s25  }
0xa6: {  	s4 =	sshll.u32 s26, $0x1;
	_ =	strace $0x8000004C;
	[dreg:$0x1] =	wrdreg $0xFFFFFFFF  }
0xa7: {  	s28 =	simm.s32 $_size_execute0_lowered;
	s2 =	sadd.s32 s2, s4;
	[dreg:$0x0] =	wrdreg $0x0  }
0xa8: {  	s4 =	sshll.u32 s28, $0x1;
	[dreg:$0x2] =	wrdreg s2  }
0xa9: {  	[dreg:$0x3] =	wrdreg s4  }
0xaa: {  	[dreg:$0x4] =	wrdreg $0xC0  }
0xab: {  	_ =	task [dreg:s6], $0x5FFFF  }
0xac: {  	[dreg:$0x1] =	wrdreg $0xFFFFFFFF  }
0xad: {  	[dreg:$0x0] =	wrdreg $0x60  }
0xae: {  	[dreg:$0x2] =	wrdreg s24  }
0xaf: {  	[dreg:$0x3] =	wrdreg $0x41000  }
0xb0: {  	[dreg:$0x4] =	wrdreg $0x9  }
0xb1: {  	_ =	task.clear_ibuf [dreg:s6], $0x5FFFF;
	_ =	strace $0x9000004C  }
0xb2: {  	s29 =	simm.s32 $0x9;
	_ =	strace $0x8000004E  }
0xb3: {  	_ =	swait.ge [sflag:s29], $0x1  }
0xb4: {  	[sflag:s29] =	ssyncadd.s32 $0xFFFFFFFF  }
0xb5: {  	_ =	strace $0x9000004E  }
0xb6: {  	_ =	sfence  }
0xb7: {  	s30 =	sld [smem:$0x0];
	_ =	sdelay $0x2  }
0xb8: {  	s31 =	sshll.u32 s1, $0xD;
	s1 =	sshrl.u32 s1, $0x2  }
0xb9: {  	s3 =	sand.u32 $0x4000, s31;
	s1 =	sadd.s32 s1, s30  }
0xba: {  	s0 =	sor.u32 s3, s0;
	s1 =	sshll.u32 s1, $0x11  }
0xbb: {  	s0 =	sor.u32 s1, s0  }
0xbc: {  	s0 =	sadd.s32 $0x8F2B, s0  }
0xbd: {  	[sflag:s0] =	ssyncadd.remote.s32 $0x1  }
0xbe: {  	_ =	sfence.sel $0xFFFF  }
0xbf: {  	[dreg:$0x0] =	wrdreg $0xFFFFFFFF;
	(pc) =	sbr.abs _section_cstart, $3  }
0xc0: {  	[dreg:$0x1] =	wrdreg $0xFFFFFFFF  }
0xc1: {  	_ =	task.clear_ibuf [dreg:s6], $0x2FFFF;
	_ =	strace $0x9FFFFFFF  }
0xc2: {  	(tm) =	ssettm $0x7FFFFFFF  }
0xc3: {  	_ =	shalt  }
tec
execute0_lowered:
.L_overlay_start_1:
0x0: {  	(tag) =	ssettag $0x1  }
0x1: {  	s5 =	rddreg [dreg:$0x0]  }
0x2: {  	s1 =	rddreg [dreg:$0x1];
	s3 =	srdreg.scid  }
0x3: {  	s0 =	rddreg [dreg:$0x2];
	s6 =	sand.u32 $0x1, s3  }
0x4: {  	s2 =	simm.s32 $0x0;
	s3 =	stileid.u32;
	s7 =	smul.u32 $0x4F00, s6  }
0x5: {  	s13 =	simm.s32 $0x100;
	s14 =	simm.s32 $0x1;
	s15 =	smul.u32 $0x2780, s3  }
0x6: {  	[smem:$0x7FF] =	sst s2;
	s4 =	sadd.s32 $0x19000, s5;
	s8 =	smul.u32 $0x27800, s6  }
0x7: {  	_ =	strace $0x8000004D;
	s6 =	ssub.s32 $0x2, s6;
	s10 =	smul.u32 $0x4F000, s3  }
0x8: {  	s30 =	sshll.u32 s3, $0x6;
	s31 =	smul.u32 $0x4F0, s3;
	s28 =	sshrl.u32 s6, $0x1  }
0x9: {  	s9 =	sadd.s32 s7, s5;
	s11 =	sadd.s32 s15, s5;
	s8 =	sadd.s32 s8, s5  }
0xa: {  	s7 =	ssub.s32 s6, s28;
	s29 =	sshrl.u32 s10, $0x2;
	s6 =	sor.u32 $0x1C02, s30  }
0xb: {  	s12 =	sadd.s32 s29, s1;
	s5 =	sadd.s32 $0x40800, s11;
	s16 =	sadd.s32 $0x68000, s8  }
0xc: {  	s7 =	smax.u32 s7, $0x1;
	s9 =	sadd.s32 s31, s9;
	s11 =	simm.s32 $0x2  }
0xd: {  	s8 =	sadd.s32 $0xF200, s9;
	s9 =	sadd.s32 $0x5400, s9;
	s10 =	sshrl.u32 s12, $0x3  }
0xe: {  	s12 =	simm.s32 $0x80;
	s15 =	sadd.s32 s15, s16;
	s16 =	simm.s32 $0x0  }
.LBB2_1:
0xf: {  	[spmem:s10], [sflag:s6] =	dma.local [hbm:s5], $0x2780  }
0x10: {  	_ =	swait.ge [sflag:s11], $0x2780  }
0x11: {  	[sflag:s11] =	ssyncset.done $0x0  }
0x12: {  	[sflag:s11] =	ssyncadd.s32 $0xFFFFD880  }
0x13: {  	s17 =	sadd.s32 $0x0, s9;
	[bflag:$0x0] =	sbarrier.arrive $0xFFFF  }
0x14: {  	[tilespmem:s2], [sflag:$0x2] =	stream.linear.gather [hbm4b:s17+s2], $0x80, $0x38;
	[tilespmem:$0x17D00] =	vst v63  }
0x15: {  	_ =	swait.ge [sflag:s11], $0x80  }
0x16: {  	[sflag:s11] =	ssyncset.done $0x0  }
0x17: {  	s31 =	sadd.s32 $0x0, s8;
	[sflag:s11] =	ssyncadd.s32 $0xFFFFFF80  }
0x18: {  	[tilespmem:s12], [sflag:$0x2] =	stream.linear.gather [hbm4b:s31+s2], $0x80, $0x38;
	[tilespmem:$0x17D00] =	vst v63  }
0x19: {  	_ =	swait.ge [sflag:s11], $0x80  }
0x1a: {  	[sflag:s11] =	ssyncset.done $0x0  }
0x1b: {  	[sflag:s11] =	ssyncadd.s32 $0xFFFFFF80  }
0x1c: {  	[tilespmem:s13], [sflag:$0x1] =	stream.indirect.gather [hbm4b:s4+s12], $0x80, s2, s12, $0xb8;
	[tilespmem:$0x17D00] =	vst v63  }
0x1d: {  	_ =	swait.ge [sflag:s14], $0x4000  }
0x1e: {  	[sflag:s14] =	ssyncset.done $0x0  }
0x1f: {  	[sflag:s14] =	ssyncadd.s32 $0xFFFFC000  }
0x20: {  	[spmem:s1] =	stream.indirect.scatter.add.f32 [tilespmem:s13], [sflag:$0x2], $0x80, s12, s12, $0xb8;
	[tilespmem:$0x17D00] =	vst v63  }
0x21: {  	_ =	swait.ge [sflag:s11], $0x4000  }
0x22: {  	s18 =	simm.s32 $0x20;
	s17 =	simm.s32 $0x10;
	[sflag:s11] =	ssyncset.done $0x0  }
.LBB2_2:
0x23: {  	s19 =	sadd.s32 s17, s9  }
0x24: {  	[sflag:s11] =	ssyncadd.s32 $0xFFFFC000;
	s20 =	smov.u32 s18;
	s21 =	sadd.s32 $0x10, s18  }
0x25: {  	[tilespmem:s2], [sflag:$0x2] =	stream.linear.gather [hbm4b:s19+s2], $0x80, $0x38;
	[tilespmem:$0x17D00] =	vst v63  }
0x26: {  	p0 =	sne.s32 s18, $0x4E0;
	_ =	swait.ge [sflag:s11], $0x80  }
0x27: {  	[sflag:s11] =	ssyncset.done $0x0  }
0x28: {  	s18 =	sadd.s32 s17, s8;
	s17 =	smov.u32 s20;
	[sflag:s11] =	ssyncadd.s32 $0xFFFFFF80  }
0x29: {  	[tilespmem:s12], [sflag:$0x2] =	stream.linear.gather [hbm4b:s18+s2], $0x80, $0x38;
	[tilespmem:$0x17D00] =	vst v63  }
0x2a: {  	_ =	swait.ge [sflag:s11], $0x80  }
0x2b: {  	[sflag:s11] =	ssyncset.done $0x0  }
0x2c: {  	[sflag:s11] =	ssyncadd.s32 $0xFFFFFF80  }
0x2d: {  	[tilespmem:s13], [sflag:$0x1] =	stream.indirect.gather [hbm4b:s4+s12], $0x80, s2, s12, $0xb8;
	[tilespmem:$0x17D00] =	vst v63  }
0x2e: {  	_ =	swait.ge [sflag:s14], $0x4000  }
.Ltmp0:
0x2f: {  	[sflag:s14] =	ssyncset.done $0x0;
	(pc) =	sbr.rel @p0 .LBB2_2-.Ltmp0, $4  }
0x30: {  	[sflag:s14] =	ssyncadd.s32 $0xFFFFC000  }
0x31: {  	[spmem:s1] =	stream.indirect.scatter.add.f32 [tilespmem:s13], [sflag:$0x2], $0x80, s12, s12, $0xb8;
	[tilespmem:$0x17D00] =	vst v63  }
0x32: {  	_ =	swait.ge [sflag:s11], $0x4000  }
0x33: {  	s18 =	smov.u32 s21;
	[sflag:s11] =	ssyncset.done $0x0  }
0x34: {  	s18 =	sadd.s32 s17, s9;
	[sflag:s11] =	ssyncadd.s32 $0xFFFFC000  }
0x35: {  	[tilespmem:s2], [sflag:$0x2] =	stream.linear.gather [hbm4b:s18+s2], $0x80, $0x38;
	[tilespmem:$0x17D00] =	vst v63  }
0x36: {  	_ =	swait.ge [sflag:s11], $0x80  }
0x37: {  	[sflag:s11] =	ssyncset.done $0x0  }
0x38: {  	s31 =	sadd.s32 s17, s8;
	[sflag:s11] =	ssyncadd.s32 $0xFFFFFF80  }
0x39: {  	[tilespmem:s12], [sflag:$0x2] =	stream.linear.gather [hbm4b:s31+s2], $0x80, $0x38;
	[tilespmem:$0x17D00] =	vst v63  }
0x3a: {  	_ =	swait.ge [sflag:s11], $0x80  }
0x3b: {  	[sflag:s11] =	ssyncset.done $0x0  }
0x3c: {  	[sflag:s11] =	ssyncadd.s32 $0xFFFFFF80  }
0x3d: {  	[tilespmem:s13], [sflag:$0x1] =	stream.indirect.gather [hbm4b:s4+s12], $0x80, s2, s12, $0xb8;
	[tilespmem:$0x17D00] =	vst v63  }
0x3e: {  	_ =	swait.ge [sflag:s14], $0x4000  }
0x3f: {  	[sflag:s14] =	ssyncset.done $0x0  }
0x40: {  	[sflag:s14] =	ssyncadd.s32 $0xFFFFC000  }
0x41: {  	[spmem:s1] =	stream.indirect.scatter.add.f32 [tilespmem:s13], [sflag:$0x2], $0x80, s12, s12, $0xb8;
	[tilespmem:$0x17D00] =	vst v63  }
0x42: {  	_ =	swait.ge [sflag:s11], $0x4000  }
0x43: {  	s16 =	sadd.s32 $0x1, s16;
	[sflag:s11] =	ssyncset.done $0x0  }
0x44: {  	p0 =	sne.s32 s16, s7;
	[sflag:s11] =	ssyncadd.s32 $0xFFFFC000  }
.Ltmp1:
0x45: {  	[bflag:$0x0] =	sbarrier.arrive $0xFFFF;
	(pc) =	sbr.rel @p0 .LBB2_1-.Ltmp1, $4  }
0x46: {  	[hbm:s15], [sflag:s6] =	dma.local [spmem:s10], $0x2780  }
0x47: {  	_ =	swait.ge [sflag:s11], $0x2780  }
0x48: {  	[sflag:s11] =	ssyncset.done $0x0  }
0x49: {  	[sflag:s11] =	ssyncadd.s32 $0xFFFFD880  }
0x4a: {  	_ =	sfence.sel $0x180000  }
0x4b: {  	[bflag:$0x0] =	sbarrier.arrive $0xFFFF  }
0x4c: {  	p0 =	sne.s32 s3, $0x0;
	_ =	strace $0x9000004D  }
0x4d: {  	s0 =	sadd.s32 @!p0 $0x100000, s0;
	[bflag:$0x2] =	sbarrier.arrive $0xFFFF  }
0x4e: {  	[sflag:s0] =	ssyncadd.tile.s32 @!p0 $0x1;
	_ =	shalt  }
.Lfunc_end2:
_tile_overlayer_lowered:
.L_overlay_start_2:
0x4f: {  	(tag) =	ssettag $0x2  }
0x50: {  	s0 =	rddreg [dreg:$0x0];
	s2 =	stileid.u32  }
0x51: {  	s1 =	rddreg [dreg:$0x1];
	p0 =	sne.s32 s2, $0x0  }
0x52: {  	s3 =	rddreg [dreg:$0x2];
	[bflag:$0x3] =	sbarrier.arrive $0xFFFF;
	s2 =	simm.s32 @!p0 $0x1C02  }
0x53: {  	[timem:s3], [sflag:s2] =	dma.local @!p0 [hbm:s0], s1  }
0x54: {  	s0 =	simm.s32 @!p0 $0x2  }
0x55: {  	_ =	swait.ge @!p0 [sflag:s0], s1  }
0x56: {  	s1 =	ssub.s32 @!p0 $0x0, s1;
	[sflag:s0] =	ssyncset.done @!p0 $0x0  }
0x57: {  	[sflag:s0] =	ssyncadd.s32 @!p0 s1  }
0x58: {  	[bflag:$0x3] =	sbarrier.arrive $0xFFFF  }
0x59: {  	_ =	shalt  }

// kernel: kernel.19.cloned.1.call-start
scs
__scs_entry_jumppad:
0x0: {  	(pc) =	sbr.rel $0x88, $3  }
0x1: {  	(tag) =	ssettag $0x0;
	lr =	simm.s32 $0x1  }
0x2: {  	[smem:$0x3F85] =	sst lr;
	_ =	strace $0xD0000000  }
0x3: {  	_ = 	snop  }
0x4: {  	_ = 	snop  }
0x5: {  	_ = 	snop  }
0x6: {  	_ = 	snop  }
0x7: {  	_ = 	snop  }
__scs_overlays_trampoline_lowered:
0x8: {  	[smem:$0x3F94] =	sst s0  }
0x9: {  	[smem:$0x3F95] =	sst s1  }
0xa: {  	[smem:$0x3F96] =	sst s2  }
0xb: {  	[smem:$0x3F97] =	sst s3  }
0xc: {  	[smem:$0x3F98] =	sst s4  }
0xd: {  	[smem:$0x3F99] =	sst s5  }
0xe: {  	[smem:$0x3F9A] =	sst s6  }
0xf: {  	[smem:$0x3F9B] =	sst s7  }
0x10: {  	[smem:$0x3F9C] =	sst s8  }
0x11: {  	[smem:$0x3F9D] =	sst s9;
	s0 =	simm.s32 @!p0 $0x0  }
0x12: {  	s1 =	sld [smem:$0x3F83];
	s0 =	simm.s32 @p0 $0x1  }
0x13: {  	[smem:$0x3F9E] =	sst s0;
	s0 =	simm.s32 @!p1 $0x0  }
0x14: {  	s2 =	sld [smem:$0x3F82];
	s0 =	simm.s32 @p1 $0x1  }
0x15: {  	[smem:$0x3F9F] =	sst s0;
	s0 =	simm.s32 @!p2 $0x0  }
0x16: {  	s3 =	sld [smem:$0x3FDB];
	s0 =	simm.s32 @p2 $0x1  }
0x17: {  	s4 =	simm.s32 $0x1BF5;
	[smem:$0x3FA1] =	sst s0  }
0x18: {  	s0 =	sld [smem:$0x3F84];
	_ =	swait.ge [sflag:s4], $0x0  }
0x19: {  	s7 =	sld [smem:$0x3F85]  }
0x1a: {  	s8 =	sadd.s32 $0xFFFFE003, lr  }
0x1b: {  	s9 =	sadd.s32 $0xFFFFFEF7, lr;
	s5 =	simm.s32 $0xFFFFFFFF;
	p2 =	slt.u32 s8, $0xFFFFF086  }
0x1c: {  	p1 =	slt.u32 s9, $0xF7A;
	s5 =	simm.s32 @!p2 $0x0  }
0x1d: {  	s5 =	simm.s32 @p1 $0x1;
	p0 =	seq.s32 s7, s2  }
0x1e: {  	s7 =	smul.u32 @!p0 $0xF7A, s2;
	p2 =	seq.s32 @!p0 s5, $0x0  }
0x1f: {  	s9 =	smul.u32 $0xF7A, s1;
	s8 =	simm.s32 @!p0 $0x1BF5;
	p2 =	por !p2, p0  }
0x20: {  	[sflag:s8] =	ssyncset.s32 @!p0 $0xFFFFF086;
	s6 =	sadd.s32 @!p0 s3, s7;
	s7 =	simm.s32 @!p0 $0x108  }
0x21: {  	s3 =	sadd.s32 s3, s9;
	s6 =	sadd.s32 @!p0 $0x88, s6;
	s7 =	simm.s32 @p2 $0x1082  }
0x22: {  	[simem:s7], [sflag:s8] =	dma.local @!p0 [hbm:s6], $0xF7A  }
0x23: {  	s9 =	sor.u32 $0xD0000000, s2;
	s6 =	simm.s32 $0x108;
	_ =	swait.ge @!p0 [sflag:s8], $0x0  }
0x24: {  	s3 =	sadd.s32 $0x88, s3;
	s6 =	simm.s32 @!p1 $0x1082;
	[sflag:s4] =	ssyncset.s32 $0xFFFFF086  }
0x25: {  	[simem:s6], [sflag:s4] =	dma.local [hbm:s3], $0xF7A  }
0x26: {  	[smem:$0x3F85] =	sst s1;
	(tag) =	ssettag s2;
	_ =	strace s9  }
0x27: {  	s1 =	sld [smem:$0x3F95]  }
0x28: {  	s2 =	sld [smem:$0x3F96]  }
0x29: {  	s4 =	sld [smem:$0x3F98]  }
0x2a: {  	p0 =	seq.s32 s5, $0x0;
	s5 =	sld [smem:$0x3F99]  }
0x2b: {  	s6 =	sld [smem:$0x3F9A]  }
0x2c: {  	s7 =	sld [smem:$0x3F9B]  }
0x2d: {  	s3 =	simm.s32 $0x108;
	s8 =	sld [smem:$0x3F9C]  }
0x2e: {  	s3 =	simm.s32 @!p0 $0x1082;
	s9 =	sld [smem:$0x3F9D]  }
0x2f: {  	lr =	sadd.s32 s0, s3;
	s0 =	sld [smem:$0x3F94]  }
0x30: {  	s3 =	sld [smem:$0x3F97]  }
0x31: {  	[smem:$0x3FA0] =	sst s10  }
0x32: {  	s10 =	sld [smem:$0x3F9E];
	_ =	sdelay $0x3  }
0x33: {  	p0 =	seq.s32 s10, $0x1;
	s10 =	sld [smem:$0x3FA0];
	_ =	sdelay $0x3  }
0x34: {  	[smem:$0x3FA0] =	sst s10  }
0x35: {  	s10 =	sld [smem:$0x3F9F];
	_ =	sdelay $0x3  }
0x36: {  	p1 =	seq.s32 s10, $0x1;
	s10 =	sld [smem:$0x3FA0];
	_ =	sdelay $0x3  }
0x37: {  	[smem:$0x3FA0] =	sst s10  }
0x38: {  	s10 =	sld [smem:$0x3FA1]  }
0x39: {  	_ = 	snop;
	(pc) =	sbr.ind lr, $3  }
0x3a: {  	_ = 	snop  }
0x3b: {  	_ = 	snop  }
0x3c: {  	p2 =	seq.s32 s10, $0x1;
	s10 =	sld [smem:$0x3FA0]  }
0x3d: {  	_ =	shalt  }
0x3e: {  	_ =	shalt  }
0x3f: {  	_ =	shalt  }
0x40: {  	_ =	shalt  }
0x41: {  	_ =	shalt  }
0x42: {  	_ =	shalt  }
0x43: {  	_ =	shalt  }
0x44: {  	_ =	shalt  }
0x45: {  	_ =	shalt  }
0x46: {  	_ =	shalt  }
0x47: {  	_ =	shalt  }
0x48: {  	_ =	shalt  }
0x49: {  	_ =	shalt  }
0x4a: {  	_ =	shalt  }
0x4b: {  	_ =	shalt  }
0x4c: {  	_ =	shalt  }
0x4d: {  	_ =	shalt  }
0x4e: {  	_ =	shalt  }
0x4f: {  	_ =	shalt  }
0x50: {  	_ =	shalt  }
0x51: {  	_ =	shalt  }
0x52: {  	_ =	shalt  }
0x53: {  	_ =	shalt  }
0x54: {  	_ =	shalt  }
0x55: {  	_ =	shalt  }
0x56: {  	_ =	shalt  }
0x57: {  	_ =	shalt  }
0x58: {  	_ =	shalt  }
0x59: {  	_ =	shalt  }
0x5a: {  	_ =	shalt  }
0x5b: {  	_ =	shalt  }
0x5c: {  	_ =	shalt  }
0x5d: {  	_ =	shalt  }
0x5e: {  	_ =	shalt  }
0x5f: {  	_ =	shalt  }
0x60: {  	_ =	shalt  }
0x61: {  	_ =	shalt  }
0x62: {  	_ =	shalt  }
0x63: {  	_ =	shalt  }
0x64: {  	_ =	shalt  }
0x65: {  	_ =	shalt  }
0x66: {  	_ =	shalt  }
0x67: {  	_ =	shalt  }
0x68: {  	_ =	shalt  }
0x69: {  	_ =	shalt  }
0x6a: {  	_ =	shalt  }
0x6b: {  	_ =	shalt  }
0x6c: {  	_ =	shalt  }
0x6d: {  	_ =	shalt  }
0x6e: {  	_ =	shalt  }
0x6f: {  	_ =	shalt  }
0x70: {  	_ =	shalt  }
0x71: {  	_ =	shalt  }
0x72: {  	_ =	shalt  }
0x73: {  	_ =	shalt  }
0x74: {  	_ =	shalt  }
0x75: {  	_ =	shalt  }
0x76: {  	_ =	shalt  }
0x77: {  	_ =	shalt  }
0x78: {  	_ =	shalt  }
0x79: {  	_ =	shalt  }
0x7a: {  	_ =	shalt  }
0x7b: {  	_ =	shalt  }
0x7c: {  	_ =	shalt  }
0x7d: {  	_ =	shalt  }
0x7e: {  	_ =	shalt  }
0x7f: {  	_ =	shalt  }
0x80: {  	_ =	shalt  }
0x81: {  	_ =	shalt  }
0x82: {  	_ =	shalt  }
0x83: {  	_ =	shalt  }
0x84: {  	_ =	shalt  }
0x85: {  	_ =	shalt  }
0x86: {  	_ =	shalt  }
0x87: {  	_ =	shalt  }
.Lfunc_end0:
.L_simem_size_0:
called_computation.3_lowered:
.L_overlay_start_0:
0x88: {  	s2 =	sld [smem:$0x3FD9]  }
0x89: {  	s3 =	sld [smem:$0x3FFE];
	_ =	sdelay $0x1  }
0x8a: {  	s1 =	srdreg.scid  }
0x8b: {  	s0 =	sand.u32 $0x1, s1  }
0x8c: {  	s16 =	sshll.u32 s0, $0xA;
	s2 =	sadd.s32 s3, s2  }
0x8d: {  	s2 =	sadd.s32 s2, s16  }
0x8e: {  	[smem:$0x3FAC] =	sst s2  }
0x8f: {  	_ = 	snop  }
0x90: {  	(tm) =	ssettm $0x1  }
0x91: {  	s17 =	sld [smem:$0x3FFB];
	_ =	sdelay $0x3  }
0x92: {  	_ =	strace s17  }
0x93: {  	s2 =	sld [smem:$0x3FFC];
	_ =	sdelay $0x3  }
0x94: {  	_ =	strace s2  }
0x95: {  	s2 =	sld [smem:$0x3FFD];
	_ =	sdelay $0x3  }
0x96: {  	_ =	strace s2  }
0x97: {  	_ =	strace $0x8FFFFFFF  }
0x98: {  	s18 =	sld [smem:$0x3FDB];
	_ =	sdelay $0x1  }
0x99: {  	s19 =	simm.s32 $_scs_section_size  }
0x9a: {  	s4 =	simm.s32 $_size__tile_overlayer_lowered;
	s5 =	simm.s32 $_tile_overlayer_lowered  }
0x9b: {  	s22 =	simm.s32 $0x1BFF;
	s21 =	sshll.u32 s5, $0x1;
	s2 =	sadd.s32 s19, s18  }
0x9c: {  	s6 =	simm.s32 $0x0;
	s20 =	sshll.u32 s4, $0x1;
	s4 =	sadd.s32 s21, s2  }
0x9d: {  	[timem:s6], [sflag:s22] =	dma.local [hbm:s4], s20  }
0x9e: {  	_ =	swait.ge [sflag:s22], s20  }
0x9f: {  	s3 =	ssub.s32 $0x0, s20;
	[sflag:s22] =	ssyncset.done $0x0  }
0xa0: {  	[sflag:s22] =	ssyncadd.s32 s3;
	_ =	sdelay $0x1  }
0xa1: {  	s23 =	simm.s32 $0x1B8B  }
0xa2: {  	_ =	swait.ge [sflag:s23], $0x1  }
0xa3: {  	[sflag:s23] =	ssyncset.done $0x0  }
0xa4: {  	s25 =	simm.s32 $0x1B8E;
	s24 =	sld [smem:$0x3FFE];
	[sflag:s23] =	ssyncadd.s32 $0xFFFFFFFF  }
0xa5: {  	s26 =	simm.s32 $execute0_lowered;
	[smem:$0x3FD2] =	sst s25  }
0xa6: {  	s4 =	sshll.u32 s26, $0x1;
	_ =	strace $0x8000004F;
	[dreg:$0x1] =	wrdreg $0xFFFFFFFF  }
0xa7: {  	s28 =	simm.s32 $_size_execute0_lowered;
	s2 =	sadd.s32 s2, s4;
	[dreg:$0x0] =	wrdreg $0x0  }
0xa8: {  	s4 =	sshll.u32 s28, $0x1;
	[dreg:$0x2] =	wrdreg s2  }
0xa9: {  	[dreg:$0x3] =	wrdreg s4  }
0xaa: {  	[dreg:$0x4] =	wrdreg $0xC0  }
0xab: {  	_ =	task [dreg:s6], $0x5FFFF  }
0xac: {  	[dreg:$0x1] =	wrdreg $0xFFFFFFFF  }
0xad: {  	[dreg:$0x0] =	wrdreg $0x60  }
0xae: {  	[dreg:$0x2] =	wrdreg s24  }
0xaf: {  	[dreg:$0x3] =	wrdreg $0x41000  }
0xb0: {  	[dreg:$0x4] =	wrdreg $0x9  }
0xb1: {  	_ =	task.clear_ibuf [dreg:s6], $0x5FFFF;
	_ =	strace $0x9000004F  }
0xb2: {  	s29 =	simm.s32 $0x9;
	_ =	strace $0x80000051  }
0xb3: {  	_ =	swait.ge [sflag:s29], $0x1  }
0xb4: {  	[sflag:s29] =	ssyncadd.s32 $0xFFFFFFFF  }
0xb5: {  	_ =	strace $0x90000051  }
0xb6: {  	_ =	sfence  }
0xb7: {  	s30 =	sld [smem:$0x0];
	_ =	sdelay $0x2  }
0xb8: {  	s31 =	sshll.u32 s1, $0xD;
	s1 =	sshrl.u32 s1, $0x2  }
0xb9: {  	s3 =	sand.u32 $0x4000, s31;
	s1 =	sadd.s32 s1, s30  }
0xba: {  	s0 =	sor.u32 s3, s0;
	s1 =	sshll.u32 s1, $0x11  }
0xbb: {  	s0 =	sor.u32 s1, s0  }
0xbc: {  	s0 =	sadd.s32 $0x8F2B, s0  }
0xbd: {  	[sflag:s0] =	ssyncadd.remote.s32 $0x1  }
0xbe: {  	_ =	sfence.sel $0xFFFF  }
0xbf: {  	[dreg:$0x0] =	wrdreg $0xFFFFFFFF;
	(pc) =	sbr.abs _section_cstart, $3  }
0xc0: {  	[dreg:$0x1] =	wrdreg $0xFFFFFFFF  }
0xc1: {  	_ =	task.clear_ibuf [dreg:s6], $0x2FFFF;
	_ =	strace $0x9FFFFFFF  }
0xc2: {  	(tm) =	ssettm $0x7FFFFFFF  }
0xc3: {  	_ =	shalt  }
tec
execute0_lowered:
.L_overlay_start_1:
0x0: {  	(tag) =	ssettag $0x1  }
0x1: {  	s5 =	rddreg [dreg:$0x0]  }
0x2: {  	s1 =	rddreg [dreg:$0x1];
	s3 =	srdreg.scid  }
0x3: {  	s0 =	rddreg [dreg:$0x2];
	s6 =	sand.u32 $0x1, s3  }
0x4: {  	s2 =	simm.s32 $0x0;
	s3 =	stileid.u32;
	s7 =	smul.u32 $0x4F00, s6  }
0x5: {  	s13 =	simm.s32 $0x100;
	s14 =	simm.s32 $0x1;
	s15 =	smul.u32 $0x2780, s3  }
0x6: {  	[smem:$0x7FF] =	sst s2;
	s4 =	sadd.s32 $0x19000, s5;
	s8 =	smul.u32 $0x27800, s6  }
0x7: {  	_ =	strace $0x80000050;
	s6 =	ssub.s32 $0x2, s6;
	s10 =	smul.u32 $0x4F000, s3  }
0x8: {  	s30 =	sshll.u32 s3, $0x6;
	s31 =	smul.u32 $0x4F0, s3;
	s28 =	sshrl.u32 s6, $0x1  }
0x9: {  	s9 =	sadd.s32 s7, s5;
	s11 =	sadd.s32 s15, s5;
	s8 =	sadd.s32 s8, s5  }
0xa: {  	s7 =	ssub.s32 s6, s28;
	s29 =	sshrl.u32 s10, $0x2;
	s6 =	sor.u32 $0x1C02, s30  }
0xb: {  	s12 =	sadd.s32 s29, s1;
	s5 =	sadd.s32 $0x40800, s11;
	s16 =	sadd.s32 $0x68000, s8  }
0xc: {  	s7 =	smax.u32 s7, $0x1;
	s9 =	sadd.s32 s31, s9;
	s11 =	simm.s32 $0x2  }
0xd: {  	s8 =	sadd.s32 $0xF200, s9;
	s9 =	sadd.s32 $0x5400, s9;
	s10 =	sshrl.u32 s12, $0x3  }
0xe: {  	s12 =	simm.s32 $0x80;
	s15 =	sadd.s32 s15, s16;
	s16 =	simm.s32 $0x0  }
.LBB2_1:
0xf: {  	[spmem:s10], [sflag:s6] =	dma.local [hbm:s5], $0x2780  }
0x10: {  	_ =	swait.ge [sflag:s11], $0x2780  }
0x11: {  	[sflag:s11] =	ssyncset.done $0x0  }
0x12: {  	[sflag:s11] =	ssyncadd.s32 $0xFFFFD880  }
0x13: {  	s17 =	sadd.s32 $0x0, s9;
	[bflag:$0x0] =	sbarrier.arrive $0xFFFF  }
0x14: {  	[tilespmem:s2], [sflag:$0x2] =	stream.linear.gather [hbm4b:s17+s2], $0x80, $0x38;
	[tilespmem:$0x17D00] =	vst v63  }
0x15: {  	_ =	swait.ge [sflag:s11], $0x80  }
0x16: {  	[sflag:s11] =	ssyncset.done $0x0  }
0x17: {  	s31 =	sadd.s32 $0x0, s8;
	[sflag:s11] =	ssyncadd.s32 $0xFFFFFF80  }
0x18: {  	[tilespmem:s12], [sflag:$0x2] =	stream.linear.gather [hbm4b:s31+s2], $0x80, $0x38;
	[tilespmem:$0x17D00] =	vst v63  }
0x19: {  	_ =	swait.ge [sflag:s11], $0x80  }
0x1a: {  	[sflag:s11] =	ssyncset.done $0x0  }
0x1b: {  	[sflag:s11] =	ssyncadd.s32 $0xFFFFFF80  }
0x1c: {  	[tilespmem:s13], [sflag:$0x1] =	stream.indirect.gather [hbm4b:s4+s12], $0x80, s2, s12, $0xb8;
	[tilespmem:$0x17D00] =	vst v63  }
0x1d: {  	_ =	swait.ge [sflag:s14], $0x4000  }
0x1e: {  	[sflag:s14] =	ssyncset.done $0x0  }
0x1f: {  	[sflag:s14] =	ssyncadd.s32 $0xFFFFC000  }
0x20: {  	[spmem:s1] =	stream.indirect.scatter.add.f32 [tilespmem:s13], [sflag:$0x2], $0x80, s12, s12, $0xb8;
	[tilespmem:$0x17D00] =	vst v63  }
0x21: {  	_ =	swait.ge [sflag:s11], $0x4000  }
0x22: {  	s18 =	simm.s32 $0x20;
	s17 =	simm.s32 $0x10;
	[sflag:s11] =	ssyncset.done $0x0  }
.LBB2_2:
0x23: {  	s19 =	sadd.s32 s17, s9  }
0x24: {  	[sflag:s11] =	ssyncadd.s32 $0xFFFFC000;
	s20 =	smov.u32 s18;
	s21 =	sadd.s32 $0x10, s18  }
0x25: {  	[tilespmem:s2], [sflag:$0x2] =	stream.linear.gather [hbm4b:s19+s2], $0x80, $0x38;
	[tilespmem:$0x17D00] =	vst v63  }
0x26: {  	p0 =	sne.s32 s18, $0x4E0;
	_ =	swait.ge [sflag:s11], $0x80  }
0x27: {  	[sflag:s11] =	ssyncset.done $0x0  }
0x28: {  	s18 =	sadd.s32 s17, s8;
	s17 =	smov.u32 s20;
	[sflag:s11] =	ssyncadd.s32 $0xFFFFFF80  }
0x29: {  	[tilespmem:s12], [sflag:$0x2] =	stream.linear.gather [hbm4b:s18+s2], $0x80, $0x38;
	[tilespmem:$0x17D00] =	vst v63  }
0x2a: {  	_ =	swait.ge [sflag:s11], $0x80  }
0x2b: {  	[sflag:s11] =	ssyncset.done $0x0  }
0x2c: {  	[sflag:s11] =	ssyncadd.s32 $0xFFFFFF80  }
0x2d: {  	[tilespmem:s13], [sflag:$0x1] =	stream.indirect.gather [hbm4b:s4+s12], $0x80, s2, s12, $0xb8;
	[tilespmem:$0x17D00] =	vst v63  }
0x2e: {  	_ =	swait.ge [sflag:s14], $0x4000  }
.Ltmp0:
0x2f: {  	[sflag:s14] =	ssyncset.done $0x0;
	(pc) =	sbr.rel @p0 .LBB2_2-.Ltmp0, $4  }
0x30: {  	[sflag:s14] =	ssyncadd.s32 $0xFFFFC000  }
0x31: {  	[spmem:s1] =	stream.indirect.scatter.add.f32 [tilespmem:s13], [sflag:$0x2], $0x80, s12, s12, $0xb8;
	[tilespmem:$0x17D00] =	vst v63  }
0x32: {  	_ =	swait.ge [sflag:s11], $0x4000  }
0x33: {  	s18 =	smov.u32 s21;
	[sflag:s11] =	ssyncset.done $0x0  }
0x34: {  	s18 =	sadd.s32 s17, s9;
	[sflag:s11] =	ssyncadd.s32 $0xFFFFC000  }
0x35: {  	[tilespmem:s2], [sflag:$0x2] =	stream.linear.gather [hbm4b:s18+s2], $0x80, $0x38;
	[tilespmem:$0x17D00] =	vst v63  }
0x36: {  	_ =	swait.ge [sflag:s11], $0x80  }
0x37: {  	[sflag:s11] =	ssyncset.done $0x0  }
0x38: {  	s31 =	sadd.s32 s17, s8;
	[sflag:s11] =	ssyncadd.s32 $0xFFFFFF80  }
0x39: {  	[tilespmem:s12], [sflag:$0x2] =	stream.linear.gather [hbm4b:s31+s2], $0x80, $0x38;
	[tilespmem:$0x17D00] =	vst v63  }
0x3a: {  	_ =	swait.ge [sflag:s11], $0x80  }
0x3b: {  	[sflag:s11] =	ssyncset.done $0x0  }
0x3c: {  	[sflag:s11] =	ssyncadd.s32 $0xFFFFFF80  }
0x3d: {  	[tilespmem:s13], [sflag:$0x1] =	stream.indirect.gather [hbm4b:s4+s12], $0x80, s2, s12, $0xb8;
	[tilespmem:$0x17D00] =	vst v63  }
0x3e: {  	_ =	swait.ge [sflag:s14], $0x4000  }
0x3f: {  	[sflag:s14] =	ssyncset.done $0x0  }
0x40: {  	[sflag:s14] =	ssyncadd.s32 $0xFFFFC000  }
0x41: {  	[spmem:s1] =	stream.indirect.scatter.add.f32 [tilespmem:s13], [sflag:$0x2], $0x80, s12, s12, $0xb8;
	[tilespmem:$0x17D00] =	vst v63  }
0x42: {  	_ =	swait.ge [sflag:s11], $0x4000  }
0x43: {  	s16 =	sadd.s32 $0x1, s16;
	[sflag:s11] =	ssyncset.done $0x0  }
0x44: {  	p0 =	sne.s32 s16, s7;
	[sflag:s11] =	ssyncadd.s32 $0xFFFFC000  }
.Ltmp1:
0x45: {  	[bflag:$0x0] =	sbarrier.arrive $0xFFFF;
	(pc) =	sbr.rel @p0 .LBB2_1-.Ltmp1, $4  }
0x46: {  	[hbm:s15], [sflag:s6] =	dma.local [spmem:s10], $0x2780  }
0x47: {  	_ =	swait.ge [sflag:s11], $0x2780  }
0x48: {  	[sflag:s11] =	ssyncset.done $0x0  }
0x49: {  	[sflag:s11] =	ssyncadd.s32 $0xFFFFD880  }
0x4a: {  	_ =	sfence.sel $0x180000  }
0x4b: {  	[bflag:$0x0] =	sbarrier.arrive $0xFFFF  }
0x4c: {  	p0 =	sne.s32 s3, $0x0;
	_ =	strace $0x90000050  }
0x4d: {  	s0 =	sadd.s32 @!p0 $0x100000, s0;
	[bflag:$0x2] =	sbarrier.arrive $0xFFFF  }
0x4e: {  	[sflag:s0] =	ssyncadd.tile.s32 @!p0 $0x1;
	_ =	shalt  }
.Lfunc_end2:
_tile_overlayer_lowered:
.L_overlay_start_2:
0x4f: {  	(tag) =	ssettag $0x2  }
0x50: {  	s0 =	rddreg [dreg:$0x0];
	s2 =	stileid.u32  }
0x51: {  	s1 =	rddreg [dreg:$0x1];
	p0 =	sne.s32 s2, $0x0  }
0x52: {  	s3 =	rddreg [dreg:$0x2];
	[bflag:$0x3] =	sbarrier.arrive $0xFFFF;
	s2 =	simm.s32 @!p0 $0x1C02  }
0x53: {  	[timem:s3], [sflag:s2] =	dma.local @!p0 [hbm:s0], s1  }
0x54: {  	s0 =	simm.s32 @!p0 $0x2  }
0x55: {  	_ =	swait.ge @!p0 [sflag:s0], s1  }
0x56: {  	s1 =	ssub.s32 @!p0 $0x0, s1;
	[sflag:s0] =	ssyncset.done @!p0 $0x0  }
0x57: {  	[sflag:s0] =	ssyncadd.s32 @!p0 s1  }
0x58: {  	[bflag:$0x3] =	sbarrier.arrive $0xFFFF  }
0x59: {  	_ =	shalt  }

</sc_bundles>
